<compile_context>
chip_gen: v7x
topology: tpu7x:2x2x1
jax: 0.10.2.dev20260603
libtpu: 0.0.44.dev20260713+nightly
codegen_flags: <defaults>
</compile_context>

<pallas_src>
import functools

import jax
import jax.numpy as jnp
from jax import lax
from jax.experimental import pallas as pl
from jax.experimental.pallas import tpu as pltpu
from jax.experimental.pallas import tpu_sc as plsc

_N = 10000
_D = 128
_E = 320000
_NC = 2
_NS = 16
_NW = _NC * _NS
_CH = 64
_NCH = 160
_EPT = _NCH * _CH
_E_PAD = _EPT * _NW
_N_PAD = 10112
_RPS = _N_PAD // _NS


def _h_body(nf, cnd, fw, fb, cv, cg, cb, out):
    hh = jnp.dot(nf[...], fw[...], preferred_element_type=jnp.float32) + fb[...]
    mu = jnp.mean(hh, axis=-1, keepdims=True)
    var = jnp.mean((hh - mu) * (hh - mu), axis=-1, keepdims=True)
    hn = (hh - mu) * lax.rsqrt(var + 1e-5)
    v = cv[...]
    norm = jnp.sqrt(jnp.sum(v * v, axis=0, keepdims=True) + 1e-12)
    w = v * (cg[...] / norm)
    gb = jnp.dot(cnd[...], w, preferred_element_type=jnp.float32) + cb[...]
    gamma = gb[:, :_D] + 1.0
    beta = gb[:, _D:]
    out[...] = jnp.maximum(gamma * hn + beta, 0.0)


def _compute_h(node_feats, cond, film_w, film_b, cond_v, cond_g, cond_b):
    bn = 1000
    grid = (_N // bn,)
    full = lambda shape: pl.BlockSpec(shape, lambda i: (0, 0))
    return pl.pallas_call(
        _h_body,
        grid=grid,
        in_specs=[
            pl.BlockSpec((bn, _D), lambda i: (i, 0)),
            pl.BlockSpec((bn, _D), lambda i: (i, 0)),
            full((_D, _D)),
            full((1, _D)),
            full((_D, 2 * _D)),
            full((1, 2 * _D)),
            full((1, 2 * _D)),
        ],
        out_specs=pl.BlockSpec((bn, _D), lambda i: (i, 0)),
        out_shape=jax.ShapeDtypeStruct((_N, _D), jnp.float32),
    )(node_feats, cond, film_w, film_b, cond_v, cond_g, cond_b)


def _coeff_body(ef, ev, eg, eb, ew, out):
    v = ev[...]
    norm = jnp.sqrt(jnp.sum(v * v, axis=0, keepdims=True) + 1e-12)
    w = v * (eg[...] / norm)
    p = jnp.tanh(jnp.dot(ef[...], w, preferred_element_type=jnp.float32) + eb[...])
    out[...] = p * ew[...]


def _compute_coeff(ef_pad, edge_v, edge_g, edge_b, ew_pad):
    be = 2048
    grid = (_E_PAD // be,)
    full = lambda shape: pl.BlockSpec(shape, lambda i: (0, 0))
    return pl.pallas_call(
        _coeff_body,
        grid=grid,
        in_specs=[
            pl.BlockSpec((be, 16), lambda i: (i, 0)),
            full((16, _D)),
            full((1, _D)),
            full((1, _D)),
            pl.BlockSpec((be, 1), lambda i: (i, 0)),
        ],
        out_specs=pl.BlockSpec((be, _D), lambda i: (i, 0)),
        out_shape=jax.ShapeDtypeStruct((_E_PAD, _D), jnp.float32),
    )(ef_pad, edge_v, edge_g, edge_b, ew_pad)


def _edge_body(h_hbm, coeff_hbm, comb_hbm, zer_hbm, out_hbm,
               comb_v, src_c, dst_c, hbuf, cbuf, accum,
               gsem0, gsem1, csem0, csem1):
    c = lax.axis_index("c")
    s = lax.axis_index("s")
    w = c * _NS + s
    gsem = (gsem0, gsem1)
    csem = (csem0, csem1)

    pltpu.sync_copy(zer_hbm, accum.at[pl.ds(s * _RPS, _RPS)])
    half = _NCH // 2
    pltpu.sync_copy(comb_hbm.at[pl.ds(w * _NCH, half)], comb_v)
    plsc.subcore_barrier()

    def _decode(j, b):
        r = lax.select(j >= half, j - half, j)
        for cc in range(_CH // 16):
            sl = pl.ds(cc * 16, 16)
            v = comb_v[r, sl]
            src_c[b, sl] = lax.bitwise_and(v, 16383)
            dst_c[b, sl] = lax.shift_right_logical(v, 14)

    def _start(j, b):
        pltpu.async_copy(h_hbm.at[src_c.at[b]], hbuf.at[b], gsem[b])
        pltpu.async_copy(coeff_hbm.at[pl.ds(w * _EPT + j * _CH, _CH)],
                         cbuf.at[b], csem[b])

    _decode(0, 0)
    _decode(1, 1)
    plsc.subcore_barrier()
    _start(0, 0)

    def pair(t, carry):
        for b in range(2):
            j = 2 * t + b
            bn = 1 - b

            @pl.when(j + 1 < _NCH)
            def _():
                _start(j + 1, bn)

            pltpu.make_async_copy(h_hbm.at[src_c.at[b]], hbuf.at[b],
                                  gsem[b]).wait()
            pltpu.make_async_copy(coeff_hbm.at[pl.ds(w * _EPT + j * _CH, _CH)],
                                  cbuf.at[b], csem[b]).wait()

            def row(i, carry2):
                for cc in range(_D // 16):
                    sl = pl.ds(cc * 16, 16)
                    hbuf[b, i, sl] = hbuf[b, i, sl] * cbuf[b, i, sl]
                return carry2

            lax.fori_loop(0, _CH, row, 0, unroll=False)
            pltpu.sync_copy(hbuf.at[b], accum.at[dst_c.at[b]], add=True)

            jn = j + 2

            @pl.when(jn < _NCH)
            def _():
                @pl.when(jn == half)
                def _reload():
                    pltpu.sync_copy(comb_hbm.at[pl.ds(w * _NCH + half, half)],
                                    comb_v)

                _decode(jn, b)

        return carry

    lax.fori_loop(0, _NCH // 2, pair, 0, unroll=False)
    plsc.subcore_barrier()
    pltpu.sync_copy(accum.at[pl.ds(s * _RPS, _RPS)],
                    out_hbm.at[c, pl.ds(s * _RPS, _RPS)])


def _edge_scatter(h, coeff, comb2d, zer):
    mesh = plsc.VectorSubcoreMesh(core_axis_name="c", subcore_axis_name="s")
    f = functools.partial(
        pl.kernel,
        out_type=jax.ShapeDtypeStruct((_NC, _N_PAD, _D), jnp.float32),
        mesh=mesh,
        scratch_types=[
            pltpu.VMEM((_NCH // 2, _CH), jnp.int32),
            pltpu.VMEM((2, _CH), jnp.int32),
            pltpu.VMEM((2, _CH), jnp.int32),
            pltpu.VMEM((2, _CH, _D), jnp.float32),
            pltpu.VMEM((2, _CH, _D), jnp.float32),
            pltpu.VMEM_SHARED((_N_PAD, _D), jnp.float32),
            pltpu.SemaphoreType.DMA,
            pltpu.SemaphoreType.DMA,
            pltpu.SemaphoreType.DMA,
            pltpu.SemaphoreType.DMA,
        ],
    )(_edge_body)
    return f(h, coeff, comb2d, zer)


def _sum_body(p0, p1, out):
    out[...] = p0[0] + p1[0]


def _sum_partials(partials):
    bn = 1000
    return pl.pallas_call(
        _sum_body,
        grid=(_N // bn,),
        in_specs=[
            pl.BlockSpec((1, bn, _D), lambda i: (0, i, 0)),
            pl.BlockSpec((1, bn, _D), lambda i: (1, i, 0)),
        ],
        out_specs=pl.BlockSpec((bn, _D), lambda i: (i, 0)),
        out_shape=jax.ShapeDtypeStruct((_N, _D), jnp.float32),
    )(partials, partials)


def kernel(node_feats, cond, edge_feats, edge_index, edge_weights,
           edge_v, edge_g, edge_b, cond_v, cond_g, cond_b, film_w, film_b):
    src = edge_index[0].astype(jnp.int32)
    dst = edge_index[1].astype(jnp.int32)
    pad = _E_PAD - _E
    comb = jnp.bitwise_or(src, jnp.left_shift(dst, 14))
    comb2d = jnp.concatenate([comb, jnp.zeros((pad,), jnp.int32)]).reshape(
        _NW * _NCH, _CH)
    ef_pad = jnp.concatenate(
        [edge_feats, jnp.zeros((pad, edge_feats.shape[1]), jnp.float32)])
    ew_pad = jnp.concatenate([edge_weights, jnp.zeros((pad, 1), jnp.float32)])
    zer = jnp.zeros((_RPS, _D), jnp.float32)

    h = _compute_h(node_feats, cond, film_w, film_b.reshape(1, _D),
                   cond_v, cond_g.reshape(1, 2 * _D), cond_b.reshape(1, 2 * _D))
    coeff = _compute_coeff(ef_pad, edge_v, edge_g.reshape(1, _D),
                           edge_b.reshape(1, _D), ew_pad)
    partials = _edge_scatter(h, coeff, comb2d, zer)
    out = _sum_partials(partials)
    return out

# --- scband reference (transcript-rebuilt; emitter-appended) ---
"""Pipeline reference for scband-node-feat-layer-68453188763822 (READ-ONLY COPY).

The authoritative reference and input builder live on the scoring server;
editing this copy changes nothing except your own understanding.
"""

import jax, jax.numpy as jnp
import numpy as np

N_NODES = 10000
N_EDGES = 320000
NODE_DIM = 128
COND_DIM = 128
EDGE_DIM = 16
OUT_DIM = 128


def _wn_linear(x, v, g, b):
    # torch weight_norm with default dim=0: per-output-neuron norm over input dim.
    # v layout here is [in, out]; normalize over axis=0.
    norm = jnp.sqrt(jnp.sum(v * v, axis=0, keepdims=True) + 1e-12)
    w = v * (g[None, :] / norm)
    return x @ w + b


def setup_inputs(seed: int = 0) -> dict:
    key = jax.random.key(seed)
    ks = jax.random.split(key, 12)
    node_feats = jax.random.normal(ks[0], (N_NODES, NODE_DIM), dtype=jnp.float32)
    cond = jax.random.normal(ks[1], (N_NODES, COND_DIM), dtype=jnp.float32)
    edge_feats = jax.random.normal(ks[2], (N_EDGES, EDGE_DIM), dtype=jnp.float32)
    edge_index = jax.random.randint(ks[3], (2, N_EDGES), 0, N_NODES, dtype=jnp.int64 if jax.config.jax_enable_x64 else jnp.int32)
    edge_weights = jax.random.uniform(ks[4], (N_EDGES, 1), dtype=jnp.float32)
    # edge_para_l: weight_norm(Linear(edge_dim, out_dim)) + Tanh
    edge_v = jax.random.normal(ks[5], (EDGE_DIM, OUT_DIM), dtype=jnp.float32) * (1.0 / np.sqrt(EDGE_DIM))
    edge_g = jnp.ones((OUT_DIM,), dtype=jnp.float32)
    edge_b = jnp.zeros((OUT_DIM,), dtype=jnp.float32)
    # FilmFusion.cond_proj_l: weight_norm(Linear(cond_dim, out_dim*2))
    cond_v = jax.random.normal(ks[6], (COND_DIM, OUT_DIM * 2), dtype=jnp.float32) * (1.0 / np.sqrt(COND_DIM))
    cond_g = jnp.ones((OUT_DIM * 2,), dtype=jnp.float32)
    cond_b = jnp.zeros((OUT_DIM * 2,), dtype=jnp.float32)
    # FilmFusion.film_l: Linear(in_dim, out_dim) + layernorm(no affine) + FiLM cond + act
    film_w = jax.random.normal(ks[7], (NODE_DIM, OUT_DIM), dtype=jnp.float32) * (1.0 / np.sqrt(NODE_DIM))
    film_b = jnp.zeros((OUT_DIM,), dtype=jnp.float32)
    return {
        "node_feats": node_feats,
        "cond": cond,
        "edge_feats": edge_feats,
        "edge_index": edge_index,
        "edge_weights": edge_weights,
        "edge_v": edge_v, "edge_g": edge_g, "edge_b": edge_b,
        "cond_v": cond_v, "cond_g": cond_g, "cond_b": cond_b,
        "film_w": film_w, "film_b": film_b,
    }


def reference(node_feats, cond, edge_feats, edge_index, edge_weights,
              edge_v, edge_g, edge_b, cond_v, cond_g, cond_b, film_w, film_b):
    # edge_para_l: weight_norm linear + tanh -> per-edge modulation params
    edge_params = jnp.tanh(_wn_linear(edge_feats, edge_v, edge_g, edge_b))
    # FilmFusion: cond -> (gamma, beta); gamma += 1
    gb = _wn_linear(cond, cond_v, cond_g, cond_b)
    gamma, beta = jnp.split(gb, 2, axis=-1)
    gamma = gamma + 1.0
    # film_l: linear -> layernorm(no affine) -> FiLM cond -> act
    h = node_feats @ film_w + film_b
    mu = jnp.mean(h, axis=-1, keepdims=True)
    var = jnp.var(h, axis=-1, keepdims=True)
    h = (h - mu) / jnp.sqrt(var + 1e-5)
    h = gamma * h + beta
    h = jax.nn.relu(h)
    # edge mirror: gather src node feats, modulate by edge params & weights, scatter-add to dst
    src = edge_index[0]
    dst = edge_index[1]
    msg = h[src] * (edge_params * edge_weights)
    out = jax.ops.segment_sum(msg, dst, num_segments=N_NODES)
    return out

if __name__ == "__main__":
    import jax
    _d = setup_inputs()
    print(jax.jit(kernel)(*tuple(_d.values())))

</pallas_src>

<mosaic_0001>
#map = affine_map<(d0, d1) -> (0, 0)>
#map1 = affine_map<(d0, d1) -> (0, 0, 0)>
module attributes {stable_mosaic.version = 14 : i64} {
  func.func @_edge_body(%arg0: i32, %arg1: i32, %arg2: memref<10000x128xf32, #tpu.memory_space<hbm>>, %arg3: memref<327680x128xf32, #tpu.memory_space<hbm>>, %arg4: memref<5120x64xi32, #tpu.memory_space<hbm>>, %arg5: memref<632x128xf32, #tpu.memory_space<hbm>>, %arg6: memref<2x10112x128xf32, #tpu.memory_space<hbm>>, %arg7: memref<80x64xi32, #tpu.memory_space<vmem>>, %arg8: memref<2x64xi32, #tpu.memory_space<vmem>>, %arg9: memref<2x64xi32, #tpu.memory_space<vmem>>, %arg10: memref<2x64x128xf32, #tpu.memory_space<vmem>>, %arg11: memref<2x64x128xf32, #tpu.memory_space<vmem>>, %arg12: memref<10112x128xf32, #tpu.memory_space<vmem_shared>>, %arg13: memref<!tpu.dma_semaphore, #tpu.memory_space<semaphore_mem>>, %arg14: memref<!tpu.dma_semaphore, #tpu.memory_space<semaphore_mem>>, %arg15: memref<!tpu.dma_semaphore, #tpu.memory_space<semaphore_mem>>, %arg16: memref<!tpu.dma_semaphore, #tpu.memory_space<semaphore_mem>>) attributes {dimension_semantics = [#tpu.dimension_semantics<core_parallel>, #tpu.dimension_semantics<subcore_parallel>], iteration_bounds = array<i64: 2, 16>, scalar_prefetch = 0 : i64, scratch_operands = 10 : i64, tpu.core_type = #tpu.core_type<sc_vector_subcore>, window_params = [{transform_indices = #map}, {transform_indices = #map}, {transform_indices = #map}, {transform_indices = #map}, {transform_indices = #map1}]} {
    %mul3A = arith.constant 16 : i32
    %mul3A_0 = arith.muli %arg0, %mul3A : i32
    %add3A = arith.addi %mul3A_0, %arg1 : i32
    %mul3A_1 = arith.constant 632 : i32
    %mul3A_2 = arith.muli %arg1, %mul3A_1 : i32
    "tpu.region"() ({
      %run_scoped3A = tpu.sem_alloc : memref<!tpu.dma_semaphore, #tpu.memory_space<semaphore_mem>>
      %dma_start3A_223 = arith.constant 0 : i32
      %dma_start3A_224 = tpu.memref_slice %arg12[%mul3A_2, %dma_start3A_223] : memref<10112x128xf32, #tpu.memory_space<vmem_shared>> -> memref<632x128xf32, #tpu.memory_space<vmem_shared>>
      tpu.enqueue_dma source(%arg5 : memref<632x128xf32, #tpu.memory_space<hbm>>) target(%dma_start3A_224 : memref<632x128xf32, #tpu.memory_space<vmem_shared>>) target_semaphore(%run_scoped3A : memref<!tpu.dma_semaphore, #tpu.memory_space<semaphore_mem>>)
      %dma_wait3A = arith.constant 0 : i32
      %dma_wait3A_225 = tpu.memref_slice %arg12[%mul3A_2, %dma_wait3A] : memref<10112x128xf32, #tpu.memory_space<vmem_shared>> -> memref<632x128xf32, #tpu.memory_space<vmem_shared>>
      tpu.wait_dma2 semaphore(%run_scoped3A : memref<!tpu.dma_semaphore, #tpu.memory_space<semaphore_mem>>) src(%arg5 : memref<632x128xf32, #tpu.memory_space<hbm>>) dst(%dma_wait3A_225 : memref<632x128xf32, #tpu.memory_space<vmem_shared>>)
      tpu.yield
    }) : () -> ()
    %mul3A_3 = arith.constant 160 : i32
    %mul3A_4 = arith.muli %add3A, %mul3A_3 : i32
    "tpu.region"() ({
      %run_scoped3A = tpu.sem_alloc : memref<!tpu.dma_semaphore, #tpu.memory_space<semaphore_mem>>
      %dma_start3A_223 = arith.constant 0 : i32
      %dma_start3A_224 = tpu.memref_slice %arg4[%mul3A_4, %dma_start3A_223] : memref<5120x64xi32, #tpu.memory_space<hbm>> -> memref<80x64xi32, #tpu.memory_space<hbm>>
      %dma_start3A_225 = arith.constant 0 : i32
      %dma_start3A_226 = tpu.memref_slice %arg4[%mul3A_4, %dma_start3A_225] : memref<5120x64xi32, #tpu.memory_space<hbm>> -> memref<80x64xi32, #tpu.memory_space<hbm>>
      tpu.enqueue_dma source(%dma_start3A_226 : memref<80x64xi32, #tpu.memory_space<hbm>>) target(%arg7 : memref<80x64xi32, #tpu.memory_space<vmem>>) target_semaphore(%run_scoped3A : memref<!tpu.dma_semaphore, #tpu.memory_space<semaphore_mem>>)
      %dma_wait3A = arith.constant 0 : i32
      %dma_wait3A_227 = tpu.memref_slice %arg4[%mul3A_4, %dma_wait3A] : memref<5120x64xi32, #tpu.memory_space<hbm>> -> memref<80x64xi32, #tpu.memory_space<hbm>>
      %dma_wait3A_228 = arith.constant 0 : i32
      %dma_wait3A_229 = tpu.memref_slice %arg4[%mul3A_4, %dma_wait3A_228] : memref<5120x64xi32, #tpu.memory_space<hbm>> -> memref<80x64xi32, #tpu.memory_space<hbm>>
      tpu.wait_dma2 semaphore(%run_scoped3A : memref<!tpu.dma_semaphore, #tpu.memory_space<semaphore_mem>>) src(%dma_wait3A_229 : memref<80x64xi32, #tpu.memory_space<hbm>>) dst(%arg7 : memref<80x64xi32, #tpu.memory_space<vmem>>)
      tpu.yield
    }) : () -> ()
    %barrier3A = arith.constant 0 : index
    tpu.barrier barrier_id(%barrier3A)
    %select_n3A = arith.constant false
    %select_n3A_5 = arith.constant 0 : i32
    %select_n3A_6 = arith.constant -80 : i32
    %select_n3A_7 = arith.select %select_n3A, %select_n3A_6, %select_n3A_5 : i32
    %get3A = arith.index_cast %select_n3A_7 : i32 to index
    %get3A_8 = arith.constant 0 : index
    %get3A_9 = tpu.vector_load %arg7[%get3A, %get3A_8] {strides = array<i32>} : memref<80x64xi32, #tpu.memory_space<vmem>>, vector<1x16xi32>,
    %get3A_10 = vector.shape_cast %get3A_9 : vector<1x16xi32> to vector<16xi32>
    %and3A = arith.constant 16383 : i32
    %and3A_11 = vector.broadcast %and3A : i32 to vector<16xi32>
    %and3A_12 = arith.andi %get3A_10, %and3A_11 : vector<16xi32>
    %swap3A = arith.constant 0 : i32
    %swap3A_13 = arith.index_cast %swap3A : i32 to index
    %swap3A_14 = arith.constant 0 : index
    %swap3A_15 = tpu.vector_load %arg8[%swap3A_13, %swap3A_14] {strides = array<i32>} : memref<2x64xi32, #tpu.memory_space<vmem>>, vector<1x16xi32>,
    %swap3A_16 = vector.shape_cast %swap3A_15 : vector<1x16xi32> to vector<16xi32>
    %swap3A_17 = vector.shape_cast %and3A_12 : vector<16xi32> to vector<1x16xi32>
    tpu.vector_store %arg8[%swap3A_13, %swap3A_14], %swap3A_17 {strides = array<i32>} : memref<2x64xi32, #tpu.memory_space<vmem>>, vector<1x16xi32>,
    %shift_right_logical3A = arith.constant 14 : i32
    %shift_right_logical3A_18 = vector.broadcast %shift_right_logical3A : i32 to vector<16xi32>
    %shift_right_logical3A_19 = arith.shrui %get3A_10, %shift_right_logical3A_18 : vector<16xi32>
    %swap3A_20 = arith.constant 0 : i32
    %swap3A_21 = arith.index_cast %swap3A_20 : i32 to index
    %swap3A_22 = arith.constant 0 : index
    %swap3A_23 = tpu.vector_load %arg9[%swap3A_21, %swap3A_22] {strides = array<i32>} : memref<2x64xi32, #tpu.memory_space<vmem>>, vector<1x16xi32>,
    %swap3A_24 = vector.shape_cast %swap3A_23 : vector<1x16xi32> to vector<16xi32>
    %swap3A_25 = vector.shape_cast %shift_right_logical3A_19 : vector<16xi32> to vector<1x16xi32>
    tpu.vector_store %arg9[%swap3A_21, %swap3A_22], %swap3A_25 {strides = array<i32>} : memref<2x64xi32, #tpu.memory_space<vmem>>, vector<1x16xi32>,
    %get3A_26 = arith.index_cast %select_n3A_7 : i32 to index
    %get3A_27 = arith.constant 16 : index
    %get3A_28 = tpu.vector_load %arg7[%get3A_26, %get3A_27] {strides = array<i32>} : memref<80x64xi32, #tpu.memory_space<vmem>>, vector<1x16xi32>,
    %get3A_29 = vector.shape_cast %get3A_28 : vector<1x16xi32> to vector<16xi32>
    %and3A_30 = arith.constant 16383 : i32
    %and3A_31 = vector.broadcast %and3A_30 : i32 to vector<16xi32>
    %and3A_32 = arith.andi %get3A_29, %and3A_31 : vector<16xi32>
    %swap3A_33 = arith.constant 0 : i32
    %swap3A_34 = arith.index_cast %swap3A_33 : i32 to index
    %swap3A_35 = arith.constant 16 : index
    %swap3A_36 = tpu.vector_load %arg8[%swap3A_34, %swap3A_35] {strides = array<i32>} : memref<2x64xi32, #tpu.memory_space<vmem>>, vector<1x16xi32>,
    %swap3A_37 = vector.shape_cast %swap3A_36 : vector<1x16xi32> to vector<16xi32>
    %swap3A_38 = vector.shape_cast %and3A_32 : vector<16xi32> to vector<1x16xi32>
    tpu.vector_store %arg8[%swap3A_34, %swap3A_35], %swap3A_38 {strides = array<i32>} : memref<2x64xi32, #tpu.memory_space<vmem>>, vector<1x16xi32>,
    %shift_right_logical3A_39 = arith.constant 14 : i32
    %shift_right_logical3A_40 = vector.broadcast %shift_right_logical3A_39 : i32 to vector<16xi32>
    %shift_right_logical3A_41 = arith.shrui %get3A_29, %shift_right_logical3A_40 : vector<16xi32>
    %swap3A_42 = arith.constant 0 : i32
    %swap3A_43 = arith.index_cast %swap3A_42 : i32 to index
    %swap3A_44 = arith.constant 16 : index
    %swap3A_45 = tpu.vector_load %arg9[%swap3A_43, %swap3A_44] {strides = array<i32>} : memref<2x64xi32, #tpu.memory_space<vmem>>, vector<1x16xi32>,
    %swap3A_46 = vector.shape_cast %swap3A_45 : vector<1x16xi32> to vector<16xi32>
    %swap3A_47 = vector.shape_cast %shift_right_logical3A_41 : vector<16xi32> to vector<1x16xi32>
    tpu.vector_store %arg9[%swap3A_43, %swap3A_44], %swap3A_47 {strides = array<i32>} : memref<2x64xi32, #tpu.memory_space<vmem>>, vector<1x16xi32>,
    %get3A_48 = arith.index_cast %select_n3A_7 : i32 to index
    %get3A_49 = arith.constant 32 : index
    %get3A_50 = tpu.vector_load %arg7[%get3A_48, %get3A_49] {strides = array<i32>} : memref<80x64xi32, #tpu.memory_space<vmem>>, vector<1x16xi32>,
    %get3A_51 = vector.shape_cast %get3A_50 : vector<1x16xi32> to vector<16xi32>
    %and3A_52 = arith.constant 16383 : i32
    %and3A_53 = vector.broadcast %and3A_52 : i32 to vector<16xi32>
    %and3A_54 = arith.andi %get3A_51, %and3A_53 : vector<16xi32>
    %swap3A_55 = arith.constant 0 : i32
    %swap3A_56 = arith.index_cast %swap3A_55 : i32 to index
    %swap3A_57 = arith.constant 32 : index
    %swap3A_58 = tpu.vector_load %arg8[%swap3A_56, %swap3A_57] {strides = array<i32>} : memref<2x64xi32, #tpu.memory_space<vmem>>, vector<1x16xi32>,
    %swap3A_59 = vector.shape_cast %swap3A_58 : vector<1x16xi32> to vector<16xi32>
    %swap3A_60 = vector.shape_cast %and3A_54 : vector<16xi32> to vector<1x16xi32>
    tpu.vector_store %arg8[%swap3A_56, %swap3A_57], %swap3A_60 {strides = array<i32>} : memref<2x64xi32, #tpu.memory_space<vmem>>, vector<1x16xi32>,
    %shift_right_logical3A_61 = arith.constant 14 : i32
    %shift_right_logical3A_62 = vector.broadcast %shift_right_logical3A_61 : i32 to vector<16xi32>
    %shift_right_logical3A_63 = arith.shrui %get3A_51, %shift_right_logical3A_62 : vector<16xi32>
    %swap3A_64 = arith.constant 0 : i32
    %swap3A_65 = arith.index_cast %swap3A_64 : i32 to index
    %swap3A_66 = arith.constant 32 : index
    %swap3A_67 = tpu.vector_load %arg9[%swap3A_65, %swap3A_66] {strides = array<i32>} : memref<2x64xi32, #tpu.memory_space<vmem>>, vector<1x16xi32>,
    %swap3A_68 = vector.shape_cast %swap3A_67 : vector<1x16xi32> to vector<16xi32>
    %swap3A_69 = vector.shape_cast %shift_right_logical3A_63 : vector<16xi32> to vector<1x16xi32>
    tpu.vector_store %arg9[%swap3A_65, %swap3A_66], %swap3A_69 {strides = array<i32>} : memref<2x64xi32, #tpu.memory_space<vmem>>, vector<1x16xi32>,
    %get3A_70 = arith.index_cast %select_n3A_7 : i32 to index
    %get3A_71 = arith.constant 48 : index
    %get3A_72 = tpu.vector_load %arg7[%get3A_70, %get3A_71] {strides = array<i32>} : memref<80x64xi32, #tpu.memory_space<vmem>>, vector<1x16xi32>,
    %get3A_73 = vector.shape_cast %get3A_72 : vector<1x16xi32> to vector<16xi32>
    %and3A_74 = arith.constant 16383 : i32
    %and3A_75 = vector.broadcast %and3A_74 : i32 to vector<16xi32>
    %and3A_76 = arith.andi %get3A_73, %and3A_75 : vector<16xi32>
    %swap3A_77 = arith.constant 0 : i32
    %swap3A_78 = arith.index_cast %swap3A_77 : i32 to index
    %swap3A_79 = arith.constant 48 : index
    %swap3A_80 = tpu.vector_load %arg8[%swap3A_78, %swap3A_79] {strides = array<i32>} : memref<2x64xi32, #tpu.memory_space<vmem>>, vector<1x16xi32>,
    %swap3A_81 = vector.shape_cast %swap3A_80 : vector<1x16xi32> to vector<16xi32>
    %swap3A_82 = vector.shape_cast %and3A_76 : vector<16xi32> to vector<1x16xi32>
    tpu.vector_store %arg8[%swap3A_78, %swap3A_79], %swap3A_82 {strides = array<i32>} : memref<2x64xi32, #tpu.memory_space<vmem>>, vector<1x16xi32>,
    %shift_right_logical3A_83 = arith.constant 14 : i32
    %shift_right_logical3A_84 = vector.broadcast %shift_right_logical3A_83 : i32 to vector<16xi32>
    %shift_right_logical3A_85 = arith.shrui %get3A_73, %shift_right_logical3A_84 : vector<16xi32>
    %swap3A_86 = arith.constant 0 : i32
    %swap3A_87 = arith.index_cast %swap3A_86 : i32 to index
    %swap3A_88 = arith.constant 48 : index
    %swap3A_89 = tpu.vector_load %arg9[%swap3A_87, %swap3A_88] {strides = array<i32>} : memref<2x64xi32, #tpu.memory_space<vmem>>, vector<1x16xi32>,
    %swap3A_90 = vector.shape_cast %swap3A_89 : vector<1x16xi32> to vector<16xi32>
    %swap3A_91 = vector.shape_cast %shift_right_logical3A_85 : vector<16xi32> to vector<1x16xi32>
    tpu.vector_store %arg9[%swap3A_87, %swap3A_88], %swap3A_91 {strides = array<i32>} : memref<2x64xi32, #tpu.memory_space<vmem>>, vector<1x16xi32>,
    %select_n3A_92 = arith.constant false
    %select_n3A_93 = arith.constant 1 : i32
    %select_n3A_94 = arith.constant -79 : i32
    %select_n3A_95 = arith.select %select_n3A_92, %select_n3A_94, %select_n3A_93 : i32
    %get3A_96 = arith.index_cast %select_n3A_95 : i32 to index
    %get3A_97 = arith.constant 0 : index
    %get3A_98 = tpu.vector_load %arg7[%get3A_96, %get3A_97] {strides = array<i32>} : memref<80x64xi32, #tpu.memory_space<vmem>>, vector<1x16xi32>,
    %get3A_99 = vector.shape_cast %get3A_98 : vector<1x16xi32> to vector<16xi32>
    %and3A_100 = arith.constant 16383 : i32
    %and3A_101 = vector.broadcast %and3A_100 : i32 to vector<16xi32>
    %and3A_102 = arith.andi %get3A_99, %and3A_101 : vector<16xi32>
    %swap3A_103 = arith.constant 1 : i32
    %swap3A_104 = arith.index_cast %swap3A_103 : i32 to index
    %swap3A_105 = arith.constant 0 : index
    %swap3A_106 = tpu.vector_load %arg8[%swap3A_104, %swap3A_105] {strides = array<i32>} : memref<2x64xi32, #tpu.memory_space<vmem>>, vector<1x16xi32>,
    %swap3A_107 = vector.shape_cast %swap3A_106 : vector<1x16xi32> to vector<16xi32>
    %swap3A_108 = vector.shape_cast %and3A_102 : vector<16xi32> to vector<1x16xi32>
    tpu.vector_store %arg8[%swap3A_104, %swap3A_105], %swap3A_108 {strides = array<i32>} : memref<2x64xi32, #tpu.memory_space<vmem>>, vector<1x16xi32>,
    %shift_right_logical3A_109 = arith.constant 14 : i32
    %shift_right_logical3A_110 = vector.broadcast %shift_right_logical3A_109 : i32 to vector<16xi32>
    %shift_right_logical3A_111 = arith.shrui %get3A_99, %shift_right_logical3A_110 : vector<16xi32>
    %swap3A_112 = arith.constant 1 : i32
    %swap3A_113 = arith.index_cast %swap3A_112 : i32 to index
    %swap3A_114 = arith.constant 0 : index
    %swap3A_115 = tpu.vector_load %arg9[%swap3A_113, %swap3A_114] {strides = array<i32>} : memref<2x64xi32, #tpu.memory_space<vmem>>, vector<1x16xi32>,
    %swap3A_116 = vector.shape_cast %swap3A_115 : vector<1x16xi32> to vector<16xi32>
    %swap3A_117 = vector.shape_cast %shift_right_logical3A_111 : vector<16xi32> to vector<1x16xi32>
    tpu.vector_store %arg9[%swap3A_113, %swap3A_114], %swap3A_117 {strides = array<i32>} : memref<2x64xi32, #tpu.memory_space<vmem>>, vector<1x16xi32>,
    %get3A_118 = arith.index_cast %select_n3A_95 : i32 to index
    %get3A_119 = arith.constant 16 : index
    %get3A_120 = tpu.vector_load %arg7[%get3A_118, %get3A_119] {strides = array<i32>} : memref<80x64xi32, #tpu.memory_space<vmem>>, vector<1x16xi32>,
    %get3A_121 = vector.shape_cast %get3A_120 : vector<1x16xi32> to vector<16xi32>
    %and3A_122 = arith.constant 16383 : i32
    %and3A_123 = vector.broadcast %and3A_122 : i32 to vector<16xi32>
    %and3A_124 = arith.andi %get3A_121, %and3A_123 : vector<16xi32>
    %swap3A_125 = arith.constant 1 : i32
    %swap3A_126 = arith.index_cast %swap3A_125 : i32 to index
    %swap3A_127 = arith.constant 16 : index
    %swap3A_128 = tpu.vector_load %arg8[%swap3A_126, %swap3A_127] {strides = array<i32>} : memref<2x64xi32, #tpu.memory_space<vmem>>, vector<1x16xi32>,
    %swap3A_129 = vector.shape_cast %swap3A_128 : vector<1x16xi32> to vector<16xi32>
    %swap3A_130 = vector.shape_cast %and3A_124 : vector<16xi32> to vector<1x16xi32>
    tpu.vector_store %arg8[%swap3A_126, %swap3A_127], %swap3A_130 {strides = array<i32>} : memref<2x64xi32, #tpu.memory_space<vmem>>, vector<1x16xi32>,
    %shift_right_logical3A_131 = arith.constant 14 : i32
    %shift_right_logical3A_132 = vector.broadcast %shift_right_logical3A_131 : i32 to vector<16xi32>
    %shift_right_logical3A_133 = arith.shrui %get3A_121, %shift_right_logical3A_132 : vector<16xi32>
    %swap3A_134 = arith.constant 1 : i32
    %swap3A_135 = arith.index_cast %swap3A_134 : i32 to index
    %swap3A_136 = arith.constant 16 : index
    %swap3A_137 = tpu.vector_load %arg9[%swap3A_135, %swap3A_136] {strides = array<i32>} : memref<2x64xi32, #tpu.memory_space<vmem>>, vector<1x16xi32>,
    %swap3A_138 = vector.shape_cast %swap3A_137 : vector<1x16xi32> to vector<16xi32>
    %swap3A_139 = vector.shape_cast %shift_right_logical3A_133 : vector<16xi32> to vector<1x16xi32>
    tpu.vector_store %arg9[%swap3A_135, %swap3A_136], %swap3A_139 {strides = array<i32>} : memref<2x64xi32, #tpu.memory_space<vmem>>, vector<1x16xi32>,
    %get3A_140 = arith.index_cast %select_n3A_95 : i32 to index
    %get3A_141 = arith.constant 32 : index
    %get3A_142 = tpu.vector_load %arg7[%get3A_140, %get3A_141] {strides = array<i32>} : memref<80x64xi32, #tpu.memory_space<vmem>>, vector<1x16xi32>,
    %get3A_143 = vector.shape_cast %get3A_142 : vector<1x16xi32> to vector<16xi32>
    %and3A_144 = arith.constant 16383 : i32
    %and3A_145 = vector.broadcast %and3A_144 : i32 to vector<16xi32>
    %and3A_146 = arith.andi %get3A_143, %and3A_145 : vector<16xi32>
    %swap3A_147 = arith.constant 1 : i32
    %swap3A_148 = arith.index_cast %swap3A_147 : i32 to index
    %swap3A_149 = arith.constant 32 : index
    %swap3A_150 = tpu.vector_load %arg8[%swap3A_148, %swap3A_149] {strides = array<i32>} : memref<2x64xi32, #tpu.memory_space<vmem>>, vector<1x16xi32>,
    %swap3A_151 = vector.shape_cast %swap3A_150 : vector<1x16xi32> to vector<16xi32>
    %swap3A_152 = vector.shape_cast %and3A_146 : vector<16xi32> to vector<1x16xi32>
    tpu.vector_store %arg8[%swap3A_148, %swap3A_149], %swap3A_152 {strides = array<i32>} : memref<2x64xi32, #tpu.memory_space<vmem>>, vector<1x16xi32>,
    %shift_right_logical3A_153 = arith.constant 14 : i32
    %shift_right_logical3A_154 = vector.broadcast %shift_right_logical3A_153 : i32 to vector<16xi32>
    %shift_right_logical3A_155 = arith.shrui %get3A_143, %shift_right_logical3A_154 : vector<16xi32>
    %swap3A_156 = arith.constant 1 : i32
    %swap3A_157 = arith.index_cast %swap3A_156 : i32 to index
    %swap3A_158 = arith.constant 32 : index
    %swap3A_159 = tpu.vector_load %arg9[%swap3A_157, %swap3A_158] {strides = array<i32>} : memref<2x64xi32, #tpu.memory_space<vmem>>, vector<1x16xi32>,
    %swap3A_160 = vector.shape_cast %swap3A_159 : vector<1x16xi32> to vector<16xi32>
    %swap3A_161 = vector.shape_cast %shift_right_logical3A_155 : vector<16xi32> to vector<1x16xi32>
    tpu.vector_store %arg9[%swap3A_157, %swap3A_158], %swap3A_161 {strides = array<i32>} : memref<2x64xi32, #tpu.memory_space<vmem>>, vector<1x16xi32>,
    %get3A_162 = arith.index_cast %select_n3A_95 : i32 to index
    %get3A_163 = arith.constant 48 : index
    %get3A_164 = tpu.vector_load %arg7[%get3A_162, %get3A_163] {strides = array<i32>} : memref<80x64xi32, #tpu.memory_space<vmem>>, vector<1x16xi32>,
    %get3A_165 = vector.shape_cast %get3A_164 : vector<1x16xi32> to vector<16xi32>
    %and3A_166 = arith.constant 16383 : i32
    %and3A_167 = vector.broadcast %and3A_166 : i32 to vector<16xi32>
    %and3A_168 = arith.andi %get3A_165, %and3A_167 : vector<16xi32>
    %swap3A_169 = arith.constant 1 : i32
    %swap3A_170 = arith.index_cast %swap3A_169 : i32 to index
    %swap3A_171 = arith.constant 48 : index
    %swap3A_172 = tpu.vector_load %arg8[%swap3A_170, %swap3A_171] {strides = array<i32>} : memref<2x64xi32, #tpu.memory_space<vmem>>, vector<1x16xi32>,
    %swap3A_173 = vector.shape_cast %swap3A_172 : vector<1x16xi32> to vector<16xi32>
    %swap3A_174 = vector.shape_cast %and3A_168 : vector<16xi32> to vector<1x16xi32>
    tpu.vector_store %arg8[%swap3A_170, %swap3A_171], %swap3A_174 {strides = array<i32>} : memref<2x64xi32, #tpu.memory_space<vmem>>, vector<1x16xi32>,
    %shift_right_logical3A_175 = arith.constant 14 : i32
    %shift_right_logical3A_176 = vector.broadcast %shift_right_logical3A_175 : i32 to vector<16xi32>
    %shift_right_logical3A_177 = arith.shrui %get3A_165, %shift_right_logical3A_176 : vector<16xi32>
    %swap3A_178 = arith.constant 1 : i32
    %swap3A_179 = arith.index_cast %swap3A_178 : i32 to index
    %swap3A_180 = arith.constant 48 : index
    %swap3A_181 = tpu.vector_load %arg9[%swap3A_179, %swap3A_180] {strides = array<i32>} : memref<2x64xi32, #tpu.memory_space<vmem>>, vector<1x16xi32>,
    %swap3A_182 = vector.shape_cast %swap3A_181 : vector<1x16xi32> to vector<16xi32>
    %swap3A_183 = vector.shape_cast %shift_right_logical3A_177 : vector<16xi32> to vector<1x16xi32>
    tpu.vector_store %arg9[%swap3A_179, %swap3A_180], %swap3A_183 {strides = array<i32>} : memref<2x64xi32, #tpu.memory_space<vmem>>, vector<1x16xi32>,
    %barrier3A_184 = arith.constant 0 : index
    tpu.barrier barrier_id(%barrier3A_184)
    %dma_start3A = arith.constant 0 : i32
    %dma_start3A_185 = arith.constant 0 : i32
    %dma_start3A_186 = arith.constant 0 : i32
    %dma_start3A_187 = arith.constant 0 : i32
    %dma_start3A_188 = tpu.memref_slice %arg10[%dma_start3A_185, %dma_start3A_186, %dma_start3A_187] : memref<2x64x128xf32, #tpu.memory_space<vmem>> -> memref<1x64x128xf32, #tpu.memory_space<vmem>>
    %dma_start3A_189 = tpu.memref_squeeze %dma_start3A_188 : memref<1x64x128xf32, #tpu.memory_space<vmem>> -> memref<64x128xf32, #tpu.memory_space<vmem>>
    %dma_start3A_190 = arith.constant 0 : i32
    %dma_start3A_191 = tpu.memref_slice %arg8[%dma_start3A, %dma_start3A_190] : memref<2x64xi32, #tpu.memory_space<vmem>> -> memref<1x64xi32, #tpu.memory_space<vmem>>
    %dma_start3A_192 = tpu.memref_squeeze %dma_start3A_191 : memref<1x64xi32, #tpu.memory_space<vmem>> -> memref<64xi32, #tpu.memory_space<vmem>>
    %dma_start3A_193 = arith.constant 0 : i32
    %dma_start3A_194 = arith.constant 0 : i32
    %dma_start3A_195 = tpu.memref_slice %arg2[%dma_start3A_193, %dma_start3A_194] : memref<10000x128xf32, #tpu.memory_space<hbm>> -> memref<10000x128xf32, #tpu.memory_space<hbm>>
    tpu.enqueue_indirect_dma source(%dma_start3A_195 : memref<10000x128xf32, #tpu.memory_space<hbm>>) target(%dma_start3A_189 : memref<64x128xf32, #tpu.memory_space<vmem>>) offsets(%dma_start3A_192 : memref<64xi32, #tpu.memory_space<vmem>>) semaphore(%arg13 : memref<!tpu.dma_semaphore, #tpu.memory_space<semaphore_mem>>)
    %mul3A_196 = arith.constant 10240 : i32
    %mul3A_197 = arith.muli %add3A, %mul3A_196 : i32
    %add3A_198 = arith.constant 0 : i32
    %add3A_199 = arith.addi %mul3A_197, %add3A_198 : i32
    %dma_start3A_200 = arith.constant 0 : i32
    %dma_start3A_201 = arith.constant 0 : i32
    %dma_start3A_202 = arith.constant 0 : i32
    %dma_start3A_203 = tpu.memref_slice %arg11[%dma_start3A_200, %dma_start3A_201, %dma_start3A_202] : memref<2x64x128xf32, #tpu.memory_space<vmem>> -> memref<1x64x128xf32, #tpu.memory_space<vmem>>
    %dma_start3A_204 = tpu.memref_squeeze %dma_start3A_203 : memref<1x64x128xf32, #tpu.memory_space<vmem>> -> memref<64x128xf32, #tpu.memory_space<vmem>>
    %dma_start3A_205 = arith.constant 0 : i32
    %dma_start3A_206 = tpu.memref_slice %arg3[%add3A_199, %dma_start3A_205] : memref<327680x128xf32, #tpu.memory_space<hbm>> -> memref<64x128xf32, #tpu.memory_space<hbm>>
    %dma_start3A_207 = arith.constant 0 : i32
    %dma_start3A_208 = arith.constant 0 : i32
    %dma_start3A_209 = tpu.memref_slice %arg11[%dma_start3A_200, %dma_start3A_207, %dma_start3A_208] : memref<2x64x128xf32, #tpu.memory_space<vmem>> -> memref<1x64x128xf32, #tpu.memory_space<vmem>>
    %dma_start3A_210 = tpu.memref_squeeze %dma_start3A_209 : memref<1x64x128xf32, #tpu.memory_space<vmem>> -> memref<64x128xf32, #tpu.memory_space<vmem>>
    %dma_start3A_211 = arith.constant 0 : i32
    %dma_start3A_212 = tpu.memref_slice %arg3[%add3A_199, %dma_start3A_211] : memref<327680x128xf32, #tpu.memory_space<hbm>> -> memref<64x128xf32, #tpu.memory_space<hbm>>
    tpu.enqueue_dma source(%dma_start3A_212 : memref<64x128xf32, #tpu.memory_space<hbm>>) target(%dma_start3A_210 : memref<64x128xf32, #tpu.memory_space<vmem>>) target_semaphore(%arg15 : memref<!tpu.dma_semaphore, #tpu.memory_space<semaphore_mem>>)
    %scan3A = arith.constant 0 : i32
    %scan3A_213 = arith.constant 0 : i32
    %scan3A_214 = arith.constant 80 : i32
    %scan3A_215 = arith.addi %scan3A_213, %scan3A_214 : i32
    %scan3A_216 = arith.constant 1 : i32
    scf.for %scan3A_223 = %scan3A_213 to %scan3A_215 step %scan3A_216  : i32 {
      %mul3A_224 = arith.constant 2 : i32
      %mul3A_225 = arith.muli %mul3A_224, %scan3A_223 : i32
      %add3A_226 = arith.constant 0 : i32
      %add3A_227 = arith.addi %mul3A_225, %add3A_226 : i32
      %add3A_228 = arith.constant 1 : i32
      %add3A_229 = arith.addi %add3A_227, %add3A_228 : i32
      %lt3A = arith.constant 160 : i32
      %lt3A_230 = arith.cmpi slt, %add3A_229, %lt3A : i32
      %convert_element_type3A = arith.extui %lt3A_230 : i1 to i32
      %cond3A = arith.constant 0 : i32
      %cond3A_231 = arith.cmpi ne, %convert_element_type3A, %cond3A : i32
      scf.if %cond3A_231 {
        %add3A_331 = arith.constant 1 : i32
        %add3A_332 = arith.addi %add3A_227, %add3A_331 : i32
        %dma_start3A_333 = arith.constant 1 : i32
        %dma_start3A_334 = arith.constant 1 : i32
        %dma_start3A_335 = arith.constant 0 : i32
        %dma_start3A_336 = arith.constant 0 : i32
        %dma_start3A_337 = tpu.memref_slice %arg10[%dma_start3A_334, %dma_start3A_335, %dma_start3A_336] : memref<2x64x128xf32, #tpu.memory_space<vmem>> -> memref<1x64x128xf32, #tpu.memory_space<vmem>>
        %dma_start3A_338 = tpu.memref_squeeze %dma_start3A_337 : memref<1x64x128xf32, #tpu.memory_space<vmem>> -> memref<64x128xf32, #tpu.memory_space<vmem>>
        %dma_start3A_339 = arith.constant 0 : i32
        %dma_start3A_340 = tpu.memref_slice %arg8[%dma_start3A_333, %dma_start3A_339] : memref<2x64xi32, #tpu.memory_space<vmem>> -> memref<1x64xi32, #tpu.memory_space<vmem>>
        %dma_start3A_341 = tpu.memref_squeeze %dma_start3A_340 : memref<1x64xi32, #tpu.memory_space<vmem>> -> memref<64xi32, #tpu.memory_space<vmem>>
        %dma_start3A_342 = arith.constant 0 : i32
        %dma_start3A_343 = arith.constant 0 : i32
        %dma_start3A_344 = tpu.memref_slice %arg2[%dma_start3A_342, %dma_start3A_343] : memref<10000x128xf32, #tpu.memory_space<hbm>> -> memref<10000x128xf32, #tpu.memory_space<hbm>>
        tpu.enqueue_indirect_dma source(%dma_start3A_344 : memref<10000x128xf32, #tpu.memory_space<hbm>>) target(%dma_start3A_338 : memref<64x128xf32, #tpu.memory_space<vmem>>) offsets(%dma_start3A_341 : memref<64xi32, #tpu.memory_space<vmem>>) semaphore(%arg14 : memref<!tpu.dma_semaphore, #tpu.memory_space<semaphore_mem>>)
        %mul3A_345 = arith.constant 10240 : i32
        %mul3A_346 = arith.muli %add3A, %mul3A_345 : i32
        %mul3A_347 = arith.constant 64 : i32
        %mul3A_348 = arith.muli %add3A_332, %mul3A_347 : i32
        %add3A_349 = arith.addi %mul3A_346, %mul3A_348 : i32
        %dma_start3A_350 = arith.constant 1 : i32
        %dma_start3A_351 = arith.constant 0 : i32
        %dma_start3A_352 = arith.constant 0 : i32
        %dma_start3A_353 = tpu.memref_slice %arg11[%dma_start3A_350, %dma_start3A_351, %dma_start3A_352] : memref<2x64x128xf32, #tpu.memory_space<vmem>> -> memref<1x64x128xf32, #tpu.memory_space<vmem>>
        %dma_start3A_354 = tpu.memref_squeeze %dma_start3A_353 : memref<1x64x128xf32, #tpu.memory_space<vmem>> -> memref<64x128xf32, #tpu.memory_space<vmem>>
        %dma_start3A_355 = arith.constant 0 : i32
        %dma_start3A_356 = tpu.memref_slice %arg3[%add3A_349, %dma_start3A_355] : memref<327680x128xf32, #tpu.memory_space<hbm>> -> memref<64x128xf32, #tpu.memory_space<hbm>>
        %dma_start3A_357 = arith.constant 0 : i32
        %dma_start3A_358 = arith.constant 0 : i32
        %dma_start3A_359 = tpu.memref_slice %arg11[%dma_start3A_350, %dma_start3A_357, %dma_start3A_358] : memref<2x64x128xf32, #tpu.memory_space<vmem>> -> memref<1x64x128xf32, #tpu.memory_space<vmem>>
        %dma_start3A_360 = tpu.memref_squeeze %dma_start3A_359 : memref<1x64x128xf32, #tpu.memory_space<vmem>> -> memref<64x128xf32, #tpu.memory_space<vmem>>
        %dma_start3A_361 = arith.constant 0 : i32
        %dma_start3A_362 = tpu.memref_slice %arg3[%add3A_349, %dma_start3A_361] : memref<327680x128xf32, #tpu.memory_space<hbm>> -> memref<64x128xf32, #tpu.memory_space<hbm>>
        tpu.enqueue_dma source(%dma_start3A_362 : memref<64x128xf32, #tpu.memory_space<hbm>>) target(%dma_start3A_360 : memref<64x128xf32, #tpu.memory_space<vmem>>) target_semaphore(%arg16 : memref<!tpu.dma_semaphore, #tpu.memory_space<semaphore_mem>>)
      } else {
      }
      %dma_wait3A = arith.constant 0 : i32
      %dma_wait3A_232 = arith.constant 0 : i32
      %dma_wait3A_233 = arith.constant 0 : i32
      %dma_wait3A_234 = arith.constant 0 : i32
      %dma_wait3A_235 = tpu.memref_slice %arg10[%dma_wait3A_232, %dma_wait3A_233, %dma_wait3A_234] : memref<2x64x128xf32, #tpu.memory_space<vmem>> -> memref<1x64x128xf32, #tpu.memory_space<vmem>>
      %dma_wait3A_236 = tpu.memref_squeeze %dma_wait3A_235 : memref<1x64x128xf32, #tpu.memory_space<vmem>> -> memref<64x128xf32, #tpu.memory_space<vmem>>
      %dma_wait3A_237 = arith.constant 0 : i32
      %dma_wait3A_238 = tpu.memref_slice %arg8[%dma_wait3A, %dma_wait3A_237] : memref<2x64xi32, #tpu.memory_space<vmem>> -> memref<1x64xi32, #tpu.memory_space<vmem>>
      %dma_wait3A_239 = tpu.memref_squeeze %dma_wait3A_238 : memref<1x64xi32, #tpu.memory_space<vmem>> -> memref<64xi32, #tpu.memory_space<vmem>>
      %dma_wait3A_240 = arith.constant 0 : i32
      %dma_wait3A_241 = arith.constant 0 : i32
      %dma_wait3A_242 = tpu.memref_slice %arg2[%dma_wait3A_240, %dma_wait3A_241] : memref<10000x128xf32, #tpu.memory_space<hbm>> -> memref<10000x128xf32, #tpu.memory_space<hbm>>
      tpu.wait_indirect_dma semaphore(%arg13 : memref<!tpu.dma_semaphore, #tpu.memory_space<semaphore_mem>>) src(%dma_wait3A_242 : memref<10000x128xf32, #tpu.memory_space<hbm>>) dst(%dma_wait3A_236 : memref<64x128xf32, #tpu.memory_space<vmem>>)
      %mul3A_243 = arith.constant 10240 : i32
      %mul3A_244 = arith.muli %add3A, %mul3A_243 : i32
      %mul3A_245 = arith.constant 64 : i32
      %mul3A_246 = arith.muli %add3A_227, %mul3A_245 : i32
      %add3A_247 = arith.addi %mul3A_244, %mul3A_246 : i32
      %dma_wait3A_248 = arith.constant 0 : i32
      %dma_wait3A_249 = arith.constant 0 : i32
      %dma_wait3A_250 = arith.constant 0 : i32
      %dma_wait3A_251 = tpu.memref_slice %arg11[%dma_wait3A_248, %dma_wait3A_249, %dma_wait3A_250] : memref<2x64x128xf32, #tpu.memory_space<vmem>> -> memref<1x64x128xf32, #tpu.memory_space<vmem>>
      %dma_wait3A_252 = tpu.memref_squeeze %dma_wait3A_251 : memref<1x64x128xf32, #tpu.memory_space<vmem>> -> memref<64x128xf32, #tpu.memory_space<vmem>>
      %dma_wait3A_253 = arith.constant 0 : i32
      %dma_wait3A_254 = tpu.memref_slice %arg3[%add3A_247, %dma_wait3A_253] : memref<327680x128xf32, #tpu.memory_space<hbm>> -> memref<64x128xf32, #tpu.memory_space<hbm>>
      %dma_wait3A_255 = arith.constant 0 : i32
      %dma_wait3A_256 = arith.constant 0 : i32
      %dma_wait3A_257 = tpu.memref_slice %arg11[%dma_wait3A_248, %dma_wait3A_255, %dma_wait3A_256] : memref<2x64x128xf32, #tpu.memory_space<vmem>> -> memref<1x64x128xf32, #tpu.memory_space<vmem>>
      %dma_wait3A_258 = tpu.memref_squeeze %dma_wait3A_257 : memref<1x64x128xf32, #tpu.memory_space<vmem>> -> memref<64x128xf32, #tpu.memory_space<vmem>>
      %dma_wait3A_259 = arith.constant 0 : i32
      %dma_wait3A_260 = tpu.memref_slice %arg3[%add3A_247, %dma_wait3A_259] : memref<327680x128xf32, #tpu.memory_space<hbm>> -> memref<64x128xf32, #tpu.memory_space<hbm>>
      tpu.wait_dma2 semaphore(%arg15 : memref<!tpu.dma_semaphore, #tpu.memory_space<semaphore_mem>>) src(%dma_wait3A_260 : memref<64x128xf32, #tpu.memory_space<hbm>>) dst(%dma_wait3A_258 : memref<64x128xf32, #tpu.memory_space<vmem>>)
      %scan3A_261 = arith.constant 0 : i32
      %scan3A_262 = arith.constant 0 : i32
      %scan3A_263 = arith.constant 64 : i32
      %scan3A_264 = arith.addi %scan3A_262, %scan3A_263 : i32
      %scan3A_265 = arith.constant 1 : i32
      scf.for %scan3A_331 = %scan3A_262 to %scan3A_264 step %scan3A_265  : i32 {
        %get3A_332 = arith.constant 0 : i32
        %get3A_333 = arith.index_cast %get3A_332 : i32 to index
        %get3A_334 = arith.index_cast %scan3A_331 : i32 to index
        %get3A_335 = arith.constant 0 : index
        %get3A_336 = tpu.vector_load %arg10[%get3A_333, %get3A_334, %get3A_335] {strides = array<i32>} : memref<2x64x128xf32, #tpu.memory_space<vmem>>, vector<1x1x16xf32>,
        %get3A_337 = vector.shape_cast %get3A_336 : vector<1x1x16xf32> to vector<16xf32>
        %get3A_338 = arith.constant 0 : i32
        %get3A_339 = arith.index_cast %get3A_338 : i32 to index
        %get3A_340 = arith.index_cast %scan3A_331 : i32 to index
        %get3A_341 = arith.constant 0 : index
        %get3A_342 = tpu.vector_load %arg11[%get3A_339, %get3A_340, %get3A_341] {strides = array<i32>} : memref<2x64x128xf32, #tpu.memory_space<vmem>>, vector<1x1x16xf32>,
        %get3A_343 = vector.shape_cast %get3A_342 : vector<1x1x16xf32> to vector<16xf32>
        %mul3A_344 = arith.mulf %get3A_337, %get3A_343 : vector<16xf32>
        %swap3A_345 = arith.constant 0 : i32
        %swap3A_346 = arith.index_cast %swap3A_345 : i32 to index
        %swap3A_347 = arith.index_cast %scan3A_331 : i32 to index
        %swap3A_348 = arith.constant 0 : index
        %swap3A_349 = tpu.vector_load %arg10[%swap3A_346, %swap3A_347, %swap3A_348] {strides = array<i32>} : memref<2x64x128xf32, #tpu.memory_space<vmem>>, vector<1x1x16xf32>,
        %swap3A_350 = vector.shape_cast %swap3A_349 : vector<1x1x16xf32> to vector<16xf32>
        %swap3A_351 = vector.shape_cast %mul3A_344 : vector<16xf32> to vector<1x1x16xf32>
        tpu.vector_store %arg10[%swap3A_346, %swap3A_347, %swap3A_348], %swap3A_351 {strides = array<i32>} : memref<2x64x128xf32, #tpu.memory_space<vmem>>, vector<1x1x16xf32>,
        %get3A_352 = arith.constant 0 : i32
        %get3A_353 = arith.index_cast %get3A_352 : i32 to index
        %get3A_354 = arith.index_cast %scan3A_331 : i32 to index
        %get3A_355 = arith.constant 16 : index
        %get3A_356 = tpu.vector_load %arg10[%get3A_353, %get3A_354, %get3A_355] {strides = array<i32>} : memref<2x64x128xf32, #tpu.memory_space<vmem>>, vector<1x1x16xf32>,
        %get3A_357 = vector.shape_cast %get3A_356 : vector<1x1x16xf32> to vector<16xf32>
        %get3A_358 = arith.constant 0 : i32
        %get3A_359 = arith.index_cast %get3A_358 : i32 to index
        %get3A_360 = arith.index_cast %scan3A_331 : i32 to index
        %get3A_361 = arith.constant 16 : index
        %get3A_362 = tpu.vector_load %arg11[%get3A_359, %get3A_360, %get3A_361] {strides = array<i32>} : memref<2x64x128xf32, #tpu.memory_space<vmem>>, vector<1x1x16xf32>,
        %get3A_363 = vector.shape_cast %get3A_362 : vector<1x1x16xf32> to vector<16xf32>
        %mul3A_364 = arith.mulf %get3A_357, %get3A_363 : vector<16xf32>
        %swap3A_365 = arith.constant 0 : i32
        %swap3A_366 = arith.index_cast %swap3A_365 : i32 to index
        %swap3A_367 = arith.index_cast %scan3A_331 : i32 to index
        %swap3A_368 = arith.constant 16 : index
        %swap3A_369 = tpu.vector_load %arg10[%swap3A_366, %swap3A_367, %swap3A_368] {strides = array<i32>} : memref<2x64x128xf32, #tpu.memory_space<vmem>>, vector<1x1x16xf32>,
        %swap3A_370 = vector.shape_cast %swap3A_369 : vector<1x1x16xf32> to vector<16xf32>
        %swap3A_371 = vector.shape_cast %mul3A_364 : vector<16xf32> to vector<1x1x16xf32>
        tpu.vector_store %arg10[%swap3A_366, %swap3A_367, %swap3A_368], %swap3A_371 {strides = array<i32>} : memref<2x64x128xf32, #tpu.memory_space<vmem>>, vector<1x1x16xf32>,
        %get3A_372 = arith.constant 0 : i32
        %get3A_373 = arith.index_cast %get3A_372 : i32 to index
        %get3A_374 = arith.index_cast %scan3A_331 : i32 to index
        %get3A_375 = arith.constant 32 : index
        %get3A_376 = tpu.vector_load %arg10[%get3A_373, %get3A_374, %get3A_375] {strides = array<i32>} : memref<2x64x128xf32, #tpu.memory_space<vmem>>, vector<1x1x16xf32>,
        %get3A_377 = vector.shape_cast %get3A_376 : vector<1x1x16xf32> to vector<16xf32>
        %get3A_378 = arith.constant 0 : i32
        %get3A_379 = arith.index_cast %get3A_378 : i32 to index
        %get3A_380 = arith.index_cast %scan3A_331 : i32 to index
        %get3A_381 = arith.constant 32 : index
        %get3A_382 = tpu.vector_load %arg11[%get3A_379, %get3A_380, %get3A_381] {strides = array<i32>} : memref<2x64x128xf32, #tpu.memory_space<vmem>>, vector<1x1x16xf32>,
        %get3A_383 = vector.shape_cast %get3A_382 : vector<1x1x16xf32> to vector<16xf32>
        %mul3A_384 = arith.mulf %get3A_377, %get3A_383 : vector<16xf32>
        %swap3A_385 = arith.constant 0 : i32
        %swap3A_386 = arith.index_cast %swap3A_385 : i32 to index
        %swap3A_387 = arith.index_cast %scan3A_331 : i32 to index
        %swap3A_388 = arith.constant 32 : index
        %swap3A_389 = tpu.vector_load %arg10[%swap3A_386, %swap3A_387, %swap3A_388] {strides = array<i32>} : memref<2x64x128xf32, #tpu.memory_space<vmem>>, vector<1x1x16xf32>,
        %swap3A_390 = vector.shape_cast %swap3A_389 : vector<1x1x16xf32> to vector<16xf32>
        %swap3A_391 = vector.shape_cast %mul3A_384 : vector<16xf32> to vector<1x1x16xf32>
        tpu.vector_store %arg10[%swap3A_386, %swap3A_387, %swap3A_388], %swap3A_391 {strides = array<i32>} : memref<2x64x128xf32, #tpu.memory_space<vmem>>, vector<1x1x16xf32>,
        %get3A_392 = arith.constant 0 : i32
        %get3A_393 = arith.index_cast %get3A_392 : i32 to index
        %get3A_394 = arith.index_cast %scan3A_331 : i32 to index
        %get3A_395 = arith.constant 48 : index
        %get3A_396 = tpu.vector_load %arg10[%get3A_393, %get3A_394, %get3A_395] {strides = array<i32>} : memref<2x64x128xf32, #tpu.memory_space<vmem>>, vector<1x1x16xf32>,
        %get3A_397 = vector.shape_cast %get3A_396 : vector<1x1x16xf32> to vector<16xf32>
        %get3A_398 = arith.constant 0 : i32
        %get3A_399 = arith.index_cast %get3A_398 : i32 to index
        %get3A_400 = arith.index_cast %scan3A_331 : i32 to index
        %get3A_401 = arith.constant 48 : index
        %get3A_402 = tpu.vector_load %arg11[%get3A_399, %get3A_400, %get3A_401] {strides = array<i32>} : memref<2x64x128xf32, #tpu.memory_space<vmem>>, vector<1x1x16xf32>,
        %get3A_403 = vector.shape_cast %get3A_402 : vector<1x1x16xf32> to vector<16xf32>
        %mul3A_404 = arith.mulf %get3A_397, %get3A_403 : vector<16xf32>
        %swap3A_405 = arith.constant 0 : i32
        %swap3A_406 = arith.index_cast %swap3A_405 : i32 to index
        %swap3A_407 = arith.index_cast %scan3A_331 : i32 to index
        %swap3A_408 = arith.constant 48 : index
        %swap3A_409 = tpu.vector_load %arg10[%swap3A_406, %swap3A_407, %swap3A_408] {strides = array<i32>} : memref<2x64x128xf32, #tpu.memory_space<vmem>>, vector<1x1x16xf32>,
        %swap3A_410 = vector.shape_cast %swap3A_409 : vector<1x1x16xf32> to vector<16xf32>
        %swap3A_411 = vector.shape_cast %mul3A_404 : vector<16xf32> to vector<1x1x16xf32>
        tpu.vector_store %arg10[%swap3A_406, %swap3A_407, %swap3A_408], %swap3A_411 {strides = array<i32>} : memref<2x64x128xf32, #tpu.memory_space<vmem>>, vector<1x1x16xf32>,
        %get3A_412 = arith.constant 0 : i32
        %get3A_413 = arith.index_cast %get3A_412 : i32 to index
        %get3A_414 = arith.index_cast %scan3A_331 : i32 to index
        %get3A_415 = arith.constant 64 : index
        %get3A_416 = tpu.vector_load %arg10[%get3A_413, %get3A_414, %get3A_415] {strides = array<i32>} : memref<2x64x128xf32, #tpu.memory_space<vmem>>, vector<1x1x16xf32>,
        %get3A_417 = vector.shape_cast %get3A_416 : vector<1x1x16xf32> to vector<16xf32>
        %get3A_418 = arith.constant 0 : i32
        %get3A_419 = arith.index_cast %get3A_418 : i32 to index
        %get3A_420 = arith.index_cast %scan3A_331 : i32 to index
        %get3A_421 = arith.constant 64 : index
        %get3A_422 = tpu.vector_load %arg11[%get3A_419, %get3A_420, %get3A_421] {strides = array<i32>} : memref<2x64x128xf32, #tpu.memory_space<vmem>>, vector<1x1x16xf32>,
        %get3A_423 = vector.shape_cast %get3A_422 : vector<1x1x16xf32> to vector<16xf32>
        %mul3A_424 = arith.mulf %get3A_417, %get3A_423 : vector<16xf32>
        %swap3A_425 = arith.constant 0 : i32
        %swap3A_426 = arith.index_cast %swap3A_425 : i32 to index
        %swap3A_427 = arith.index_cast %scan3A_331 : i32 to index
        %swap3A_428 = arith.constant 64 : index
        %swap3A_429 = tpu.vector_load %arg10[%swap3A_426, %swap3A_427, %swap3A_428] {strides = array<i32>} : memref<2x64x128xf32, #tpu.memory_space<vmem>>, vector<1x1x16xf32>,
        %swap3A_430 = vector.shape_cast %swap3A_429 : vector<1x1x16xf32> to vector<16xf32>
        %swap3A_431 = vector.shape_cast %mul3A_424 : vector<16xf32> to vector<1x1x16xf32>
        tpu.vector_store %arg10[%swap3A_426, %swap3A_427, %swap3A_428], %swap3A_431 {strides = array<i32>} : memref<2x64x128xf32, #tpu.memory_space<vmem>>, vector<1x1x16xf32>,
        %get3A_432 = arith.constant 0 : i32
        %get3A_433 = arith.index_cast %get3A_432 : i32 to index
        %get3A_434 = arith.index_cast %scan3A_331 : i32 to index
        %get3A_435 = arith.constant 80 : index
        %get3A_436 = tpu.vector_load %arg10[%get3A_433, %get3A_434, %get3A_435] {strides = array<i32>} : memref<2x64x128xf32, #tpu.memory_space<vmem>>, vector<1x1x16xf32>,
        %get3A_437 = vector.shape_cast %get3A_436 : vector<1x1x16xf32> to vector<16xf32>
        %get3A_438 = arith.constant 0 : i32
        %get3A_439 = arith.index_cast %get3A_438 : i32 to index
        %get3A_440 = arith.index_cast %scan3A_331 : i32 to index
        %get3A_441 = arith.constant 80 : index
        %get3A_442 = tpu.vector_load %arg11[%get3A_439, %get3A_440, %get3A_441] {strides = array<i32>} : memref<2x64x128xf32, #tpu.memory_space<vmem>>, vector<1x1x16xf32>,
        %get3A_443 = vector.shape_cast %get3A_442 : vector<1x1x16xf32> to vector<16xf32>
        %mul3A_444 = arith.mulf %get3A_437, %get3A_443 : vector<16xf32>
        %swap3A_445 = arith.constant 0 : i32
        %swap3A_446 = arith.index_cast %swap3A_445 : i32 to index
        %swap3A_447 = arith.index_cast %scan3A_331 : i32 to index
        %swap3A_448 = arith.constant 80 : index
        %swap3A_449 = tpu.vector_load %arg10[%swap3A_446, %swap3A_447, %swap3A_448] {strides = array<i32>} : memref<2x64x128xf32, #tpu.memory_space<vmem>>, vector<1x1x16xf32>,
        %swap3A_450 = vector.shape_cast %swap3A_449 : vector<1x1x16xf32> to vector<16xf32>
        %swap3A_451 = vector.shape_cast %mul3A_444 : vector<16xf32> to vector<1x1x16xf32>
        tpu.vector_store %arg10[%swap3A_446, %swap3A_447, %swap3A_448], %swap3A_451 {strides = array<i32>} : memref<2x64x128xf32, #tpu.memory_space<vmem>>, vector<1x1x16xf32>,
        %get3A_452 = arith.constant 0 : i32
        %get3A_453 = arith.index_cast %get3A_452 : i32 to index
        %get3A_454 = arith.index_cast %scan3A_331 : i32 to index
        %get3A_455 = arith.constant 96 : index
        %get3A_456 = tpu.vector_load %arg10[%get3A_453, %get3A_454, %get3A_455] {strides = array<i32>} : memref<2x64x128xf32, #tpu.memory_space<vmem>>, vector<1x1x16xf32>,
        %get3A_457 = vector.shape_cast %get3A_456 : vector<1x1x16xf32> to vector<16xf32>
        %get3A_458 = arith.constant 0 : i32
        %get3A_459 = arith.index_cast %get3A_458 : i32 to index
        %get3A_460 = arith.index_cast %scan3A_331 : i32 to index
        %get3A_461 = arith.constant 96 : index
        %get3A_462 = tpu.vector_load %arg11[%get3A_459, %get3A_460, %get3A_461] {strides = array<i32>} : memref<2x64x128xf32, #tpu.memory_space<vmem>>, vector<1x1x16xf32>,
        %get3A_463 = vector.shape_cast %get3A_462 : vector<1x1x16xf32> to vector<16xf32>
        %mul3A_464 = arith.mulf %get3A_457, %get3A_463 : vector<16xf32>
        %swap3A_465 = arith.constant 0 : i32
        %swap3A_466 = arith.index_cast %swap3A_465 : i32 to index
        %swap3A_467 = arith.index_cast %scan3A_331 : i32 to index
        %swap3A_468 = arith.constant 96 : index
        %swap3A_469 = tpu.vector_load %arg10[%swap3A_466, %swap3A_467, %swap3A_468] {strides = array<i32>} : memref<2x64x128xf32, #tpu.memory_space<vmem>>, vector<1x1x16xf32>,
        %swap3A_470 = vector.shape_cast %swap3A_469 : vector<1x1x16xf32> to vector<16xf32>
        %swap3A_471 = vector.shape_cast %mul3A_464 : vector<16xf32> to vector<1x1x16xf32>
        tpu.vector_store %arg10[%swap3A_466, %swap3A_467, %swap3A_468], %swap3A_471 {strides = array<i32>} : memref<2x64x128xf32, #tpu.memory_space<vmem>>, vector<1x1x16xf32>,
        %get3A_472 = arith.constant 0 : i32
        %get3A_473 = arith.index_cast %get3A_472 : i32 to index
        %get3A_474 = arith.index_cast %scan3A_331 : i32 to index
        %get3A_475 = arith.constant 112 : index
        %get3A_476 = tpu.vector_load %arg10[%get3A_473, %get3A_474, %get3A_475] {strides = array<i32>} : memref<2x64x128xf32, #tpu.memory_space<vmem>>, vector<1x1x16xf32>,
        %get3A_477 = vector.shape_cast %get3A_476 : vector<1x1x16xf32> to vector<16xf32>
        %get3A_478 = arith.constant 0 : i32
        %get3A_479 = arith.index_cast %get3A_478 : i32 to index
        %get3A_480 = arith.index_cast %scan3A_331 : i32 to index
        %get3A_481 = arith.constant 112 : index
        %get3A_482 = tpu.vector_load %arg11[%get3A_479, %get3A_480, %get3A_481] {strides = array<i32>} : memref<2x64x128xf32, #tpu.memory_space<vmem>>, vector<1x1x16xf32>,
        %get3A_483 = vector.shape_cast %get3A_482 : vector<1x1x16xf32> to vector<16xf32>
        %mul3A_484 = arith.mulf %get3A_477, %get3A_483 : vector<16xf32>
        %swap3A_485 = arith.constant 0 : i32
        %swap3A_486 = arith.index_cast %swap3A_485 : i32 to index
        %swap3A_487 = arith.index_cast %scan3A_331 : i32 to index
        %swap3A_488 = arith.constant 112 : index
        %swap3A_489 = tpu.vector_load %arg10[%swap3A_486, %swap3A_487, %swap3A_488] {strides = array<i32>} : memref<2x64x128xf32, #tpu.memory_space<vmem>>, vector<1x1x16xf32>,
        %swap3A_490 = vector.shape_cast %swap3A_489 : vector<1x1x16xf32> to vector<16xf32>
        %swap3A_491 = vector.shape_cast %mul3A_484 : vector<16xf32> to vector<1x1x16xf32>
        tpu.vector_store %arg10[%swap3A_486, %swap3A_487, %swap3A_488], %swap3A_491 {strides = array<i32>} : memref<2x64x128xf32, #tpu.memory_space<vmem>>, vector<1x1x16xf32>,
      }
      %scan3A_266 = arith.constant 64 : i32
      %run_scoped3A = arith.constant 0 : i32
      %run_scoped3A_267 = arith.constant 0 : i32
      "tpu.region"() ({
        %run_scoped3A_331 = tpu.sem_alloc : memref<!tpu.dma_semaphore, #tpu.memory_space<semaphore_mem>>
        %dma_start3A_332 = arith.constant 0 : i32
        %dma_start3A_333 = arith.constant 0 : i32
        %dma_start3A_334 = tpu.memref_slice %arg10[%run_scoped3A, %dma_start3A_332, %dma_start3A_333] : memref<2x64x128xf32, #tpu.memory_space<vmem>> -> memref<1x64x128xf32, #tpu.memory_space<vmem>>
        %dma_start3A_335 = tpu.memref_squeeze %dma_start3A_334 : memref<1x64x128xf32, #tpu.memory_space<vmem>> -> memref<64x128xf32, #tpu.memory_space<vmem>>
        %dma_start3A_336 = arith.constant 0 : i32
        %dma_start3A_337 = tpu.memref_slice %arg9[%run_scoped3A_267, %dma_start3A_336] : memref<2x64xi32, #tpu.memory_space<vmem>> -> memref<1x64xi32, #tpu.memory_space<vmem>>
        %dma_start3A_338 = tpu.memref_squeeze %dma_start3A_337 : memref<1x64xi32, #tpu.memory_space<vmem>> -> memref<64xi32, #tpu.memory_space<vmem>>
        %dma_start3A_339 = arith.constant 0 : i32
        %dma_start3A_340 = arith.constant 0 : i32
        %dma_start3A_341 = tpu.memref_slice %arg12[%dma_start3A_339, %dma_start3A_340] : memref<10112x128xf32, #tpu.memory_space<vmem_shared>> -> memref<10112x128xf32, #tpu.memory_space<vmem_shared>>
        tpu.enqueue_indirect_dma source(%dma_start3A_335 : memref<64x128xf32, #tpu.memory_space<vmem>>) target(%dma_start3A_341 : memref<10112x128xf32, #tpu.memory_space<vmem_shared>>) offsets(%dma_start3A_338 : memref<64xi32, #tpu.memory_space<vmem>>) semaphore(%run_scoped3A_331 : memref<!tpu.dma_semaphore, #tpu.memory_space<semaphore_mem>>) {add = true}
        %dma_wait3A_342 = arith.constant 0 : i32
        %dma_wait3A_343 = arith.constant 0 : i32
        %dma_wait3A_344 = tpu.memref_slice %arg10[%run_scoped3A, %dma_wait3A_342, %dma_wait3A_343] : memref<2x64x128xf32, #tpu.memory_space<vmem>> -> memref<1x64x128xf32, #tpu.memory_space<vmem>>
        %dma_wait3A_345 = tpu.memref_squeeze %dma_wait3A_344 : memref<1x64x128xf32, #tpu.memory_space<vmem>> -> memref<64x128xf32, #tpu.memory_space<vmem>>
        %dma_wait3A_346 = arith.constant 0 : i32
        %dma_wait3A_347 = tpu.memref_slice %arg9[%run_scoped3A_267, %dma_wait3A_346] : memref<2x64xi32, #tpu.memory_space<vmem>> -> memref<1x64xi32, #tpu.memory_space<vmem>>
        %dma_wait3A_348 = tpu.memref_squeeze %dma_wait3A_347 : memref<1x64xi32, #tpu.memory_space<vmem>> -> memref<64xi32, #tpu.memory_space<vmem>>
        %dma_wait3A_349 = arith.constant 0 : i32
        %dma_wait3A_350 = arith.constant 0 : i32
        %dma_wait3A_351 = tpu.memref_slice %arg12[%dma_wait3A_349, %dma_wait3A_350] : memref<10112x128xf32, #tpu.memory_space<vmem_shared>> -> memref<10112x128xf32, #tpu.memory_space<vmem_shared>>
        tpu.wait_indirect_dma semaphore(%run_scoped3A_331 : memref<!tpu.dma_semaphore, #tpu.memory_space<semaphore_mem>>) src(%dma_wait3A_345 : memref<64x128xf32, #tpu.memory_space<vmem>>) dst(%dma_wait3A_351 : memref<10112x128xf32, #tpu.memory_space<vmem_shared>>)
        tpu.yield
      }) : () -> ()
      %add3A_268 = arith.constant 2 : i32
      %add3A_269 = arith.addi %add3A_227, %add3A_268 : i32
      %lt3A_270 = arith.constant 160 : i32
      %lt3A_271 = arith.cmpi slt, %add3A_269, %lt3A_270 : i32
      %convert_element_type3A_272 = arith.extui %lt3A_271 : i1 to i32
      %cond3A_273 = arith.constant 0 : i32
      %cond3A_274 = arith.cmpi ne, %convert_element_type3A_272, %cond3A_273 : i32
      scf.if %cond3A_274 {
        %eq3A = arith.constant 80 : i32
        %eq3A_331 = arith.cmpi eq, %add3A_269, %eq3A : i32
        %convert_element_type3A_332 = arith.extui %eq3A_331 : i1 to i32
        %cond3A_333 = arith.constant 0 : i32
        %cond3A_334 = arith.cmpi ne, %convert_element_type3A_332, %cond3A_333 : i32
        scf.if %cond3A_334 {
          %mul3A_426 = arith.constant 160 : i32
          %mul3A_427 = arith.muli %add3A, %mul3A_426 : i32
          %add3A_428 = arith.constant 80 : i32
          %add3A_429 = arith.addi %mul3A_427, %add3A_428 : i32
          "tpu.region"() ({
            %run_scoped3A_430 = tpu.sem_alloc : memref<!tpu.dma_semaphore, #tpu.memory_space<semaphore_mem>>
            %dma_start3A_431 = arith.constant 0 : i32
            %dma_start3A_432 = tpu.memref_slice %arg4[%add3A_429, %dma_start3A_431] : memref<5120x64xi32, #tpu.memory_space<hbm>> -> memref<80x64xi32, #tpu.memory_space<hbm>>
            %dma_start3A_433 = arith.constant 0 : i32
            %dma_start3A_434 = tpu.memref_slice %arg4[%add3A_429, %dma_start3A_433] : memref<5120x64xi32, #tpu.memory_space<hbm>> -> memref<80x64xi32, #tpu.memory_space<hbm>>
            tpu.enqueue_dma source(%dma_start3A_434 : memref<80x64xi32, #tpu.memory_space<hbm>>) target(%arg7 : memref<80x64xi32, #tpu.memory_space<vmem>>) target_semaphore(%run_scoped3A_430 : memref<!tpu.dma_semaphore, #tpu.memory_space<semaphore_mem>>)
            %dma_wait3A_435 = arith.constant 0 : i32
            %dma_wait3A_436 = tpu.memref_slice %arg4[%add3A_429, %dma_wait3A_435] : memref<5120x64xi32, #tpu.memory_space<hbm>> -> memref<80x64xi32, #tpu.memory_space<hbm>>
            %dma_wait3A_437 = arith.constant 0 : i32
            %dma_wait3A_438 = tpu.memref_slice %arg4[%add3A_429, %dma_wait3A_437] : memref<5120x64xi32, #tpu.memory_space<hbm>> -> memref<80x64xi32, #tpu.memory_space<hbm>>
            tpu.wait_dma2 semaphore(%run_scoped3A_430 : memref<!tpu.dma_semaphore, #tpu.memory_space<semaphore_mem>>) src(%dma_wait3A_438 : memref<80x64xi32, #tpu.memory_space<hbm>>) dst(%arg7 : memref<80x64xi32, #tpu.memory_space<vmem>>)
            tpu.yield
          }) : () -> ()
        } else {
        }
        %ge3A = arith.constant 80 : i32
        %ge3A_335 = arith.cmpi sge, %add3A_269, %ge3A : i32
        %sub3A = arith.constant 80 : i32
        %sub3A_336 = arith.subi %add3A_269, %sub3A : i32
        %select_n3A_337 = arith.select %ge3A_335, %sub3A_336, %add3A_269 : i32
        %get3A_338 = arith.index_cast %select_n3A_337 : i32 to index
        %get3A_339 = arith.constant 0 : index
        %get3A_340 = tpu.vector_load %arg7[%get3A_338, %get3A_339] {strides = array<i32>} : memref<80x64xi32, #tpu.memory_space<vmem>>, vector<1x16xi32>,
        %get3A_341 = vector.shape_cast %get3A_340 : vector<1x16xi32> to vector<16xi32>
        %and3A_342 = arith.constant 16383 : i32
        %and3A_343 = vector.broadcast %and3A_342 : i32 to vector<16xi32>
        %and3A_344 = arith.andi %get3A_341, %and3A_343 : vector<16xi32>
        %swap3A_345 = arith.constant 0 : i32
        %swap3A_346 = arith.index_cast %swap3A_345 : i32 to index
        %swap3A_347 = arith.constant 0 : index
        %swap3A_348 = tpu.vector_load %arg8[%swap3A_346, %swap3A_347] {strides = array<i32>} : memref<2x64xi32, #tpu.memory_space<vmem>>, vector<1x16xi32>,
        %swap3A_349 = vector.shape_cast %swap3A_348 : vector<1x16xi32> to vector<16xi32>
        %swap3A_350 = vector.shape_cast %and3A_344 : vector<16xi32> to vector<1x16xi32>
        tpu.vector_store %arg8[%swap3A_346, %swap3A_347], %swap3A_350 {strides = array<i32>} : memref<2x64xi32, #tpu.memory_space<vmem>>, vector<1x16xi32>,
        %shift_right_logical3A_351 = arith.constant 14 : i32
        %shift_right_logical3A_352 = vector.broadcast %shift_right_logical3A_351 : i32 to vector<16xi32>
        %shift_right_logical3A_353 = arith.shrui %get3A_341, %shift_right_logical3A_352 : vector<16xi32>
        %swap3A_354 = arith.constant 0 : i32
        %swap3A_355 = arith.index_cast %swap3A_354 : i32 to index
        %swap3A_356 = arith.constant 0 : index
        %swap3A_357 = tpu.vector_load %arg9[%swap3A_355, %swap3A_356] {strides = array<i32>} : memref<2x64xi32, #tpu.memory_space<vmem>>, vector<1x16xi32>,
        %swap3A_358 = vector.shape_cast %swap3A_357 : vector<1x16xi32> to vector<16xi32>
        %swap3A_359 = vector.shape_cast %shift_right_logical3A_353 : vector<16xi32> to vector<1x16xi32>
        tpu.vector_store %arg9[%swap3A_355, %swap3A_356], %swap3A_359 {strides = array<i32>} : memref<2x64xi32, #tpu.memory_space<vmem>>, vector<1x16xi32>,
        %get3A_360 = arith.index_cast %select_n3A_337 : i32 to index
        %get3A_361 = arith.constant 16 : index
        %get3A_362 = tpu.vector_load %arg7[%get3A_360, %get3A_361] {strides = array<i32>} : memref<80x64xi32, #tpu.memory_space<vmem>>, vector<1x16xi32>,
        %get3A_363 = vector.shape_cast %get3A_362 : vector<1x16xi32> to vector<16xi32>
        %and3A_364 = arith.constant 16383 : i32
        %and3A_365 = vector.broadcast %and3A_364 : i32 to vector<16xi32>
        %and3A_366 = arith.andi %get3A_363, %and3A_365 : vector<16xi32>
        %swap3A_367 = arith.constant 0 : i32
        %swap3A_368 = arith.index_cast %swap3A_367 : i32 to index
        %swap3A_369 = arith.constant 16 : index
        %swap3A_370 = tpu.vector_load %arg8[%swap3A_368, %swap3A_369] {strides = array<i32>} : memref<2x64xi32, #tpu.memory_space<vmem>>, vector<1x16xi32>,
        %swap3A_371 = vector.shape_cast %swap3A_370 : vector<1x16xi32> to vector<16xi32>
        %swap3A_372 = vector.shape_cast %and3A_366 : vector<16xi32> to vector<1x16xi32>
        tpu.vector_store %arg8[%swap3A_368, %swap3A_369], %swap3A_372 {strides = array<i32>} : memref<2x64xi32, #tpu.memory_space<vmem>>, vector<1x16xi32>,
        %shift_right_logical3A_373 = arith.constant 14 : i32
        %shift_right_logical3A_374 = vector.broadcast %shift_right_logical3A_373 : i32 to vector<16xi32>
        %shift_right_logical3A_375 = arith.shrui %get3A_363, %shift_right_logical3A_374 : vector<16xi32>
        %swap3A_376 = arith.constant 0 : i32
        %swap3A_377 = arith.index_cast %swap3A_376 : i32 to index
        %swap3A_378 = arith.constant 16 : index
        %swap3A_379 = tpu.vector_load %arg9[%swap3A_377, %swap3A_378] {strides = array<i32>} : memref<2x64xi32, #tpu.memory_space<vmem>>, vector<1x16xi32>,
        %swap3A_380 = vector.shape_cast %swap3A_379 : vector<1x16xi32> to vector<16xi32>
        %swap3A_381 = vector.shape_cast %shift_right_logical3A_375 : vector<16xi32> to vector<1x16xi32>
        tpu.vector_store %arg9[%swap3A_377, %swap3A_378], %swap3A_381 {strides = array<i32>} : memref<2x64xi32, #tpu.memory_space<vmem>>, vector<1x16xi32>,
        %get3A_382 = arith.index_cast %select_n3A_337 : i32 to index
        %get3A_383 = arith.constant 32 : index
        %get3A_384 = tpu.vector_load %arg7[%get3A_382, %get3A_383] {strides = array<i32>} : memref<80x64xi32, #tpu.memory_space<vmem>>, vector<1x16xi32>,
        %get3A_385 = vector.shape_cast %get3A_384 : vector<1x16xi32> to vector<16xi32>
        %and3A_386 = arith.constant 16383 : i32
        %and3A_387 = vector.broadcast %and3A_386 : i32 to vector<16xi32>
        %and3A_388 = arith.andi %get3A_385, %and3A_387 : vector<16xi32>
        %swap3A_389 = arith.constant 0 : i32
        %swap3A_390 = arith.index_cast %swap3A_389 : i32 to index
        %swap3A_391 = arith.constant 32 : index
        %swap3A_392 = tpu.vector_load %arg8[%swap3A_390, %swap3A_391] {strides = array<i32>} : memref<2x64xi32, #tpu.memory_space<vmem>>, vector<1x16xi32>,
        %swap3A_393 = vector.shape_cast %swap3A_392 : vector<1x16xi32> to vector<16xi32>
        %swap3A_394 = vector.shape_cast %and3A_388 : vector<16xi32> to vector<1x16xi32>
        tpu.vector_store %arg8[%swap3A_390, %swap3A_391], %swap3A_394 {strides = array<i32>} : memref<2x64xi32, #tpu.memory_space<vmem>>, vector<1x16xi32>,
        %shift_right_logical3A_395 = arith.constant 14 : i32
        %shift_right_logical3A_396 = vector.broadcast %shift_right_logical3A_395 : i32 to vector<16xi32>
        %shift_right_logical3A_397 = arith.shrui %get3A_385, %shift_right_logical3A_396 : vector<16xi32>
        %swap3A_398 = arith.constant 0 : i32
        %swap3A_399 = arith.index_cast %swap3A_398 : i32 to index
        %swap3A_400 = arith.constant 32 : index
        %swap3A_401 = tpu.vector_load %arg9[%swap3A_399, %swap3A_400] {strides = array<i32>} : memref<2x64xi32, #tpu.memory_space<vmem>>, vector<1x16xi32>,
        %swap3A_402 = vector.shape_cast %swap3A_401 : vector<1x16xi32> to vector<16xi32>
        %swap3A_403 = vector.shape_cast %shift_right_logical3A_397 : vector<16xi32> to vector<1x16xi32>
        tpu.vector_store %arg9[%swap3A_399, %swap3A_400], %swap3A_403 {strides = array<i32>} : memref<2x64xi32, #tpu.memory_space<vmem>>, vector<1x16xi32>,
        %get3A_404 = arith.index_cast %select_n3A_337 : i32 to index
        %get3A_405 = arith.constant 48 : index
        %get3A_406 = tpu.vector_load %arg7[%get3A_404, %get3A_405] {strides = array<i32>} : memref<80x64xi32, #tpu.memory_space<vmem>>, vector<1x16xi32>,
        %get3A_407 = vector.shape_cast %get3A_406 : vector<1x16xi32> to vector<16xi32>
        %and3A_408 = arith.constant 16383 : i32
        %and3A_409 = vector.broadcast %and3A_408 : i32 to vector<16xi32>
        %and3A_410 = arith.andi %get3A_407, %and3A_409 : vector<16xi32>
        %swap3A_411 = arith.constant 0 : i32
        %swap3A_412 = arith.index_cast %swap3A_411 : i32 to index
        %swap3A_413 = arith.constant 48 : index
        %swap3A_414 = tpu.vector_load %arg8[%swap3A_412, %swap3A_413] {strides = array<i32>} : memref<2x64xi32, #tpu.memory_space<vmem>>, vector<1x16xi32>,
        %swap3A_415 = vector.shape_cast %swap3A_414 : vector<1x16xi32> to vector<16xi32>
        %swap3A_416 = vector.shape_cast %and3A_410 : vector<16xi32> to vector<1x16xi32>
        tpu.vector_store %arg8[%swap3A_412, %swap3A_413], %swap3A_416 {strides = array<i32>} : memref<2x64xi32, #tpu.memory_space<vmem>>, vector<1x16xi32>,
        %shift_right_logical3A_417 = arith.constant 14 : i32
        %shift_right_logical3A_418 = vector.broadcast %shift_right_logical3A_417 : i32 to vector<16xi32>
        %shift_right_logical3A_419 = arith.shrui %get3A_407, %shift_right_logical3A_418 : vector<16xi32>
        %swap3A_420 = arith.constant 0 : i32
        %swap3A_421 = arith.index_cast %swap3A_420 : i32 to index
        %swap3A_422 = arith.constant 48 : index
        %swap3A_423 = tpu.vector_load %arg9[%swap3A_421, %swap3A_422] {strides = array<i32>} : memref<2x64xi32, #tpu.memory_space<vmem>>, vector<1x16xi32>,
        %swap3A_424 = vector.shape_cast %swap3A_423 : vector<1x16xi32> to vector<16xi32>
        %swap3A_425 = vector.shape_cast %shift_right_logical3A_419 : vector<16xi32> to vector<1x16xi32>
        tpu.vector_store %arg9[%swap3A_421, %swap3A_422], %swap3A_425 {strides = array<i32>} : memref<2x64xi32, #tpu.memory_space<vmem>>, vector<1x16xi32>,
      } else {
      }
      %mul3A_275 = arith.constant 2 : i32
      %mul3A_276 = arith.muli %mul3A_275, %scan3A_223 : i32
      %add3A_277 = arith.constant 1 : i32
      %add3A_278 = arith.addi %mul3A_276, %add3A_277 : i32
      %add3A_279 = arith.constant 1 : i32
      %add3A_280 = arith.addi %add3A_278, %add3A_279 : i32
      %lt3A_281 = arith.constant 160 : i32
      %lt3A_282 = arith.cmpi slt, %add3A_280, %lt3A_281 : i32
      %convert_element_type3A_283 = arith.extui %lt3A_282 : i1 to i32
      %cond3A_284 = arith.constant 0 : i32
      %cond3A_285 = arith.cmpi ne, %convert_element_type3A_283, %cond3A_284 : i32
      scf.if %cond3A_285 {
        %add3A_331 = arith.constant 1 : i32
        %add3A_332 = arith.addi %add3A_278, %add3A_331 : i32
        %dma_start3A_333 = arith.constant 0 : i32
        %dma_start3A_334 = arith.constant 0 : i32
        %dma_start3A_335 = arith.constant 0 : i32
        %dma_start3A_336 = arith.constant 0 : i32
        %dma_start3A_337 = tpu.memref_slice %arg10[%dma_start3A_334, %dma_start3A_335, %dma_start3A_336] : memref<2x64x128xf32, #tpu.memory_space<vmem>> -> memref<1x64x128xf32, #tpu.memory_space<vmem>>
        %dma_start3A_338 = tpu.memref_squeeze %dma_start3A_337 : memref<1x64x128xf32, #tpu.memory_space<vmem>> -> memref<64x128xf32, #tpu.memory_space<vmem>>
        %dma_start3A_339 = arith.constant 0 : i32
        %dma_start3A_340 = tpu.memref_slice %arg8[%dma_start3A_333, %dma_start3A_339] : memref<2x64xi32, #tpu.memory_space<vmem>> -> memref<1x64xi32, #tpu.memory_space<vmem>>
        %dma_start3A_341 = tpu.memref_squeeze %dma_start3A_340 : memref<1x64xi32, #tpu.memory_space<vmem>> -> memref<64xi32, #tpu.memory_space<vmem>>
        %dma_start3A_342 = arith.constant 0 : i32
        %dma_start3A_343 = arith.constant 0 : i32
        %dma_start3A_344 = tpu.memref_slice %arg2[%dma_start3A_342, %dma_start3A_343] : memref<10000x128xf32, #tpu.memory_space<hbm>> -> memref<10000x128xf32, #tpu.memory_space<hbm>>
        tpu.enqueue_indirect_dma source(%dma_start3A_344 : memref<10000x128xf32, #tpu.memory_space<hbm>>) target(%dma_start3A_338 : memref<64x128xf32, #tpu.memory_space<vmem>>) offsets(%dma_start3A_341 : memref<64xi32, #tpu.memory_space<vmem>>) semaphore(%arg13 : memref<!tpu.dma_semaphore, #tpu.memory_space<semaphore_mem>>)
        %mul3A_345 = arith.constant 10240 : i32
        %mul3A_346 = arith.muli %add3A, %mul3A_345 : i32
        %mul3A_347 = arith.constant 64 : i32
        %mul3A_348 = arith.muli %add3A_332, %mul3A_347 : i32
        %add3A_349 = arith.addi %mul3A_346, %mul3A_348 : i32
        %dma_start3A_350 = arith.constant 0 : i32
        %dma_start3A_351 = arith.constant 0 : i32
        %dma_start3A_352 = arith.constant 0 : i32
        %dma_start3A_353 = tpu.memref_slice %arg11[%dma_start3A_350, %dma_start3A_351, %dma_start3A_352] : memref<2x64x128xf32, #tpu.memory_space<vmem>> -> memref<1x64x128xf32, #tpu.memory_space<vmem>>
        %dma_start3A_354 = tpu.memref_squeeze %dma_start3A_353 : memref<1x64x128xf32, #tpu.memory_space<vmem>> -> memref<64x128xf32, #tpu.memory_space<vmem>>
        %dma_start3A_355 = arith.constant 0 : i32
        %dma_start3A_356 = tpu.memref_slice %arg3[%add3A_349, %dma_start3A_355] : memref<327680x128xf32, #tpu.memory_space<hbm>> -> memref<64x128xf32, #tpu.memory_space<hbm>>
        %dma_start3A_357 = arith.constant 0 : i32
        %dma_start3A_358 = arith.constant 0 : i32
        %dma_start3A_359 = tpu.memref_slice %arg11[%dma_start3A_350, %dma_start3A_357, %dma_start3A_358] : memref<2x64x128xf32, #tpu.memory_space<vmem>> -> memref<1x64x128xf32, #tpu.memory_space<vmem>>
        %dma_start3A_360 = tpu.memref_squeeze %dma_start3A_359 : memref<1x64x128xf32, #tpu.memory_space<vmem>> -> memref<64x128xf32, #tpu.memory_space<vmem>>
        %dma_start3A_361 = arith.constant 0 : i32
        %dma_start3A_362 = tpu.memref_slice %arg3[%add3A_349, %dma_start3A_361] : memref<327680x128xf32, #tpu.memory_space<hbm>> -> memref<64x128xf32, #tpu.memory_space<hbm>>
        tpu.enqueue_dma source(%dma_start3A_362 : memref<64x128xf32, #tpu.memory_space<hbm>>) target(%dma_start3A_360 : memref<64x128xf32, #tpu.memory_space<vmem>>) target_semaphore(%arg15 : memref<!tpu.dma_semaphore, #tpu.memory_space<semaphore_mem>>)
      } else {
      }
      %dma_wait3A_286 = arith.constant 1 : i32
      %dma_wait3A_287 = arith.constant 1 : i32
      %dma_wait3A_288 = arith.constant 0 : i32
      %dma_wait3A_289 = arith.constant 0 : i32
      %dma_wait3A_290 = tpu.memref_slice %arg10[%dma_wait3A_287, %dma_wait3A_288, %dma_wait3A_289] : memref<2x64x128xf32, #tpu.memory_space<vmem>> -> memref<1x64x128xf32, #tpu.memory_space<vmem>>
      %dma_wait3A_291 = tpu.memref_squeeze %dma_wait3A_290 : memref<1x64x128xf32, #tpu.memory_space<vmem>> -> memref<64x128xf32, #tpu.memory_space<vmem>>
      %dma_wait3A_292 = arith.constant 0 : i32
      %dma_wait3A_293 = tpu.memref_slice %arg8[%dma_wait3A_286, %dma_wait3A_292] : memref<2x64xi32, #tpu.memory_space<vmem>> -> memref<1x64xi32, #tpu.memory_space<vmem>>
      %dma_wait3A_294 = tpu.memref_squeeze %dma_wait3A_293 : memref<1x64xi32, #tpu.memory_space<vmem>> -> memref<64xi32, #tpu.memory_space<vmem>>
      %dma_wait3A_295 = arith.constant 0 : i32
      %dma_wait3A_296 = arith.constant 0 : i32
      %dma_wait3A_297 = tpu.memref_slice %arg2[%dma_wait3A_295, %dma_wait3A_296] : memref<10000x128xf32, #tpu.memory_space<hbm>> -> memref<10000x128xf32, #tpu.memory_space<hbm>>
      tpu.wait_indirect_dma semaphore(%arg14 : memref<!tpu.dma_semaphore, #tpu.memory_space<semaphore_mem>>) src(%dma_wait3A_297 : memref<10000x128xf32, #tpu.memory_space<hbm>>) dst(%dma_wait3A_291 : memref<64x128xf32, #tpu.memory_space<vmem>>)
      %mul3A_298 = arith.constant 10240 : i32
      %mul3A_299 = arith.muli %add3A, %mul3A_298 : i32
      %mul3A_300 = arith.constant 64 : i32
      %mul3A_301 = arith.muli %add3A_278, %mul3A_300 : i32
      %add3A_302 = arith.addi %mul3A_299, %mul3A_301 : i32
      %dma_wait3A_303 = arith.constant 1 : i32
      %dma_wait3A_304 = arith.constant 0 : i32
      %dma_wait3A_305 = arith.constant 0 : i32
      %dma_wait3A_306 = tpu.memref_slice %arg11[%dma_wait3A_303, %dma_wait3A_304, %dma_wait3A_305] : memref<2x64x128xf32, #tpu.memory_space<vmem>> -> memref<1x64x128xf32, #tpu.memory_space<vmem>>
      %dma_wait3A_307 = tpu.memref_squeeze %dma_wait3A_306 : memref<1x64x128xf32, #tpu.memory_space<vmem>> -> memref<64x128xf32, #tpu.memory_space<vmem>>
      %dma_wait3A_308 = arith.constant 0 : i32
      %dma_wait3A_309 = tpu.memref_slice %arg3[%add3A_302, %dma_wait3A_308] : memref<327680x128xf32, #tpu.memory_space<hbm>> -> memref<64x128xf32, #tpu.memory_space<hbm>>
      %dma_wait3A_310 = arith.constant 0 : i32
      %dma_wait3A_311 = arith.constant 0 : i32
      %dma_wait3A_312 = tpu.memref_slice %arg11[%dma_wait3A_303, %dma_wait3A_310, %dma_wait3A_311] : memref<2x64x128xf32, #tpu.memory_space<vmem>> -> memref<1x64x128xf32, #tpu.memory_space<vmem>>
      %dma_wait3A_313 = tpu.memref_squeeze %dma_wait3A_312 : memref<1x64x128xf32, #tpu.memory_space<vmem>> -> memref<64x128xf32, #tpu.memory_space<vmem>>
      %dma_wait3A_314 = arith.constant 0 : i32
      %dma_wait3A_315 = tpu.memref_slice %arg3[%add3A_302, %dma_wait3A_314] : memref<327680x128xf32, #tpu.memory_space<hbm>> -> memref<64x128xf32, #tpu.memory_space<hbm>>
      tpu.wait_dma2 semaphore(%arg16 : memref<!tpu.dma_semaphore, #tpu.memory_space<semaphore_mem>>) src(%dma_wait3A_315 : memref<64x128xf32, #tpu.memory_space<hbm>>) dst(%dma_wait3A_313 : memref<64x128xf32, #tpu.memory_space<vmem>>)
      %scan3A_316 = arith.constant 0 : i32
      %scan3A_317 = arith.constant 0 : i32
      %scan3A_318 = arith.constant 64 : i32
      %scan3A_319 = arith.addi %scan3A_317, %scan3A_318 : i32
      %scan3A_320 = arith.constant 1 : i32
      scf.for %scan3A_331 = %scan3A_317 to %scan3A_319 step %scan3A_320  : i32 {
        %get3A_332 = arith.constant 1 : i32
        %get3A_333 = arith.index_cast %get3A_332 : i32 to index
        %get3A_334 = arith.index_cast %scan3A_331 : i32 to index
        %get3A_335 = arith.constant 0 : index
        %get3A_336 = tpu.vector_load %arg10[%get3A_333, %get3A_334, %get3A_335] {strides = array<i32>} : memref<2x64x128xf32, #tpu.memory_space<vmem>>, vector<1x1x16xf32>,
        %get3A_337 = vector.shape_cast %get3A_336 : vector<1x1x16xf32> to vector<16xf32>
        %get3A_338 = arith.constant 1 : i32
        %get3A_339 = arith.index_cast %get3A_338 : i32 to index
        %get3A_340 = arith.index_cast %scan3A_331 : i32 to index
        %get3A_341 = arith.constant 0 : index
        %get3A_342 = tpu.vector_load %arg11[%get3A_339, %get3A_340, %get3A_341] {strides = array<i32>} : memref<2x64x128xf32, #tpu.memory_space<vmem>>, vector<1x1x16xf32>,
        %get3A_343 = vector.shape_cast %get3A_342 : vector<1x1x16xf32> to vector<16xf32>
        %mul3A_344 = arith.mulf %get3A_337, %get3A_343 : vector<16xf32>
        %swap3A_345 = arith.constant 1 : i32
        %swap3A_346 = arith.index_cast %swap3A_345 : i32 to index
        %swap3A_347 = arith.index_cast %scan3A_331 : i32 to index
        %swap3A_348 = arith.constant 0 : index
        %swap3A_349 = tpu.vector_load %arg10[%swap3A_346, %swap3A_347, %swap3A_348] {strides = array<i32>} : memref<2x64x128xf32, #tpu.memory_space<vmem>>, vector<1x1x16xf32>,
        %swap3A_350 = vector.shape_cast %swap3A_349 : vector<1x1x16xf32> to vector<16xf32>
        %swap3A_351 = vector.shape_cast %mul3A_344 : vector<16xf32> to vector<1x1x16xf32>
        tpu.vector_store %arg10[%swap3A_346, %swap3A_347, %swap3A_348], %swap3A_351 {strides = array<i32>} : memref<2x64x128xf32, #tpu.memory_space<vmem>>, vector<1x1x16xf32>,
        %get3A_352 = arith.constant 1 : i32
        %get3A_353 = arith.index_cast %get3A_352 : i32 to index
        %get3A_354 = arith.index_cast %scan3A_331 : i32 to index
        %get3A_355 = arith.constant 16 : index
        %get3A_356 = tpu.vector_load %arg10[%get3A_353, %get3A_354, %get3A_355] {strides = array<i32>} : memref<2x64x128xf32, #tpu.memory_space<vmem>>, vector<1x1x16xf32>,
        %get3A_357 = vector.shape_cast %get3A_356 : vector<1x1x16xf32> to vector<16xf32>
        %get3A_358 = arith.constant 1 : i32
        %get3A_359 = arith.index_cast %get3A_358 : i32 to index
        %get3A_360 = arith.index_cast %scan3A_331 : i32 to index
        %get3A_361 = arith.constant 16 : index
        %get3A_362 = tpu.vector_load %arg11[%get3A_359, %get3A_360, %get3A_361] {strides = array<i32>} : memref<2x64x128xf32, #tpu.memory_space<vmem>>, vector<1x1x16xf32>,
        %get3A_363 = vector.shape_cast %get3A_362 : vector<1x1x16xf32> to vector<16xf32>
        %mul3A_364 = arith.mulf %get3A_357, %get3A_363 : vector<16xf32>
        %swap3A_365 = arith.constant 1 : i32
        %swap3A_366 = arith.index_cast %swap3A_365 : i32 to index
        %swap3A_367 = arith.index_cast %scan3A_331 : i32 to index
        %swap3A_368 = arith.constant 16 : index
        %swap3A_369 = tpu.vector_load %arg10[%swap3A_366, %swap3A_367, %swap3A_368] {strides = array<i32>} : memref<2x64x128xf32, #tpu.memory_space<vmem>>, vector<1x1x16xf32>,
        %swap3A_370 = vector.shape_cast %swap3A_369 : vector<1x1x16xf32> to vector<16xf32>
        %swap3A_371 = vector.shape_cast %mul3A_364 : vector<16xf32> to vector<1x1x16xf32>
        tpu.vector_store %arg10[%swap3A_366, %swap3A_367, %swap3A_368], %swap3A_371 {strides = array<i32>} : memref<2x64x128xf32, #tpu.memory_space<vmem>>, vector<1x1x16xf32>,
        %get3A_372 = arith.constant 1 : i32
        %get3A_373 = arith.index_cast %get3A_372 : i32 to index
        %get3A_374 = arith.index_cast %scan3A_331 : i32 to index
        %get3A_375 = arith.constant 32 : index
        %get3A_376 = tpu.vector_load %arg10[%get3A_373, %get3A_374, %get3A_375] {strides = array<i32>} : memref<2x64x128xf32, #tpu.memory_space<vmem>>, vector<1x1x16xf32>,
        %get3A_377 = vector.shape_cast %get3A_376 : vector<1x1x16xf32> to vector<16xf32>
        %get3A_378 = arith.constant 1 : i32
        %get3A_379 = arith.index_cast %get3A_378 : i32 to index
        %get3A_380 = arith.index_cast %scan3A_331 : i32 to index
        %get3A_381 = arith.constant 32 : index
        %get3A_382 = tpu.vector_load %arg11[%get3A_379, %get3A_380, %get3A_381] {strides = array<i32>} : memref<2x64x128xf32, #tpu.memory_space<vmem>>, vector<1x1x16xf32>,
        %get3A_383 = vector.shape_cast %get3A_382 : vector<1x1x16xf32> to vector<16xf32>
        %mul3A_384 = arith.mulf %get3A_377, %get3A_383 : vector<16xf32>
        %swap3A_385 = arith.constant 1 : i32
        %swap3A_386 = arith.index_cast %swap3A_385 : i32 to index
        %swap3A_387 = arith.index_cast %scan3A_331 : i32 to index
        %swap3A_388 = arith.constant 32 : index
        %swap3A_389 = tpu.vector_load %arg10[%swap3A_386, %swap3A_387, %swap3A_388] {strides = array<i32>} : memref<2x64x128xf32, #tpu.memory_space<vmem>>, vector<1x1x16xf32>,
        %swap3A_390 = vector.shape_cast %swap3A_389 : vector<1x1x16xf32> to vector<16xf32>
        %swap3A_391 = vector.shape_cast %mul3A_384 : vector<16xf32> to vector<1x1x16xf32>
        tpu.vector_store %arg10[%swap3A_386, %swap3A_387, %swap3A_388], %swap3A_391 {strides = array<i32>} : memref<2x64x128xf32, #tpu.memory_space<vmem>>, vector<1x1x16xf32>,
        %get3A_392 = arith.constant 1 : i32
        %get3A_393 = arith.index_cast %get3A_392 : i32 to index
        %get3A_394 = arith.index_cast %scan3A_331 : i32 to index
        %get3A_395 = arith.constant 48 : index
        %get3A_396 = tpu.vector_load %arg10[%get3A_393, %get3A_394, %get3A_395] {strides = array<i32>} : memref<2x64x128xf32, #tpu.memory_space<vmem>>, vector<1x1x16xf32>,
        %get3A_397 = vector.shape_cast %get3A_396 : vector<1x1x16xf32> to vector<16xf32>
        %get3A_398 = arith.constant 1 : i32
        %get3A_399 = arith.index_cast %get3A_398 : i32 to index
        %get3A_400 = arith.index_cast %scan3A_331 : i32 to index
        %get3A_401 = arith.constant 48 : index
        %get3A_402 = tpu.vector_load %arg11[%get3A_399, %get3A_400, %get3A_401] {strides = array<i32>} : memref<2x64x128xf32, #tpu.memory_space<vmem>>, vector<1x1x16xf32>,
        %get3A_403 = vector.shape_cast %get3A_402 : vector<1x1x16xf32> to vector<16xf32>
        %mul3A_404 = arith.mulf %get3A_397, %get3A_403 : vector<16xf32>
        %swap3A_405 = arith.constant 1 : i32
        %swap3A_406 = arith.index_cast %swap3A_405 : i32 to index
        %swap3A_407 = arith.index_cast %scan3A_331 : i32 to index
        %swap3A_408 = arith.constant 48 : index
        %swap3A_409 = tpu.vector_load %arg10[%swap3A_406, %swap3A_407, %swap3A_408] {strides = array<i32>} : memref<2x64x128xf32, #tpu.memory_space<vmem>>, vector<1x1x16xf32>,
        %swap3A_410 = vector.shape_cast %swap3A_409 : vector<1x1x16xf32> to vector<16xf32>
        %swap3A_411 = vector.shape_cast %mul3A_404 : vector<16xf32> to vector<1x1x16xf32>
        tpu.vector_store %arg10[%swap3A_406, %swap3A_407, %swap3A_408], %swap3A_411 {strides = array<i32>} : memref<2x64x128xf32, #tpu.memory_space<vmem>>, vector<1x1x16xf32>,
        %get3A_412 = arith.constant 1 : i32
        %get3A_413 = arith.index_cast %get3A_412 : i32 to index
        %get3A_414 = arith.index_cast %scan3A_331 : i32 to index
        %get3A_415 = arith.constant 64 : index
        %get3A_416 = tpu.vector_load %arg10[%get3A_413, %get3A_414, %get3A_415] {strides = array<i32>} : memref<2x64x128xf32, #tpu.memory_space<vmem>>, vector<1x1x16xf32>,
        %get3A_417 = vector.shape_cast %get3A_416 : vector<1x1x16xf32> to vector<16xf32>
        %get3A_418 = arith.constant 1 : i32
        %get3A_419 = arith.index_cast %get3A_418 : i32 to index
        %get3A_420 = arith.index_cast %scan3A_331 : i32 to index
        %get3A_421 = arith.constant 64 : index
        %get3A_422 = tpu.vector_load %arg11[%get3A_419, %get3A_420, %get3A_421] {strides = array<i32>} : memref<2x64x128xf32, #tpu.memory_space<vmem>>, vector<1x1x16xf32>,
        %get3A_423 = vector.shape_cast %get3A_422 : vector<1x1x16xf32> to vector<16xf32>
        %mul3A_424 = arith.mulf %get3A_417, %get3A_423 : vector<16xf32>
        %swap3A_425 = arith.constant 1 : i32
        %swap3A_426 = arith.index_cast %swap3A_425 : i32 to index
        %swap3A_427 = arith.index_cast %scan3A_331 : i32 to index
        %swap3A_428 = arith.constant 64 : index
        %swap3A_429 = tpu.vector_load %arg10[%swap3A_426, %swap3A_427, %swap3A_428] {strides = array<i32>} : memref<2x64x128xf32, #tpu.memory_space<vmem>>, vector<1x1x16xf32>,
        %swap3A_430 = vector.shape_cast %swap3A_429 : vector<1x1x16xf32> to vector<16xf32>
        %swap3A_431 = vector.shape_cast %mul3A_424 : vector<16xf32> to vector<1x1x16xf32>
        tpu.vector_store %arg10[%swap3A_426, %swap3A_427, %swap3A_428], %swap3A_431 {strides = array<i32>} : memref<2x64x128xf32, #tpu.memory_space<vmem>>, vector<1x1x16xf32>,
        %get3A_432 = arith.constant 1 : i32
        %get3A_433 = arith.index_cast %get3A_432 : i32 to index
        %get3A_434 = arith.index_cast %scan3A_331 : i32 to index
        %get3A_435 = arith.constant 80 : index
        %get3A_436 = tpu.vector_load %arg10[%get3A_433, %get3A_434, %get3A_435] {strides = array<i32>} : memref<2x64x128xf32, #tpu.memory_space<vmem>>, vector<1x1x16xf32>,
        %get3A_437 = vector.shape_cast %get3A_436 : vector<1x1x16xf32> to vector<16xf32>
        %get3A_438 = arith.constant 1 : i32
        %get3A_439 = arith.index_cast %get3A_438 : i32 to index
        %get3A_440 = arith.index_cast %scan3A_331 : i32 to index
        %get3A_441 = arith.constant 80 : index
        %get3A_442 = tpu.vector_load %arg11[%get3A_439, %get3A_440, %get3A_441] {strides = array<i32>} : memref<2x64x128xf32, #tpu.memory_space<vmem>>, vector<1x1x16xf32>,
        %get3A_443 = vector.shape_cast %get3A_442 : vector<1x1x16xf32> to vector<16xf32>
        %mul3A_444 = arith.mulf %get3A_437, %get3A_443 : vector<16xf32>
        %swap3A_445 = arith.constant 1 : i32
        %swap3A_446 = arith.index_cast %swap3A_445 : i32 to index
        %swap3A_447 = arith.index_cast %scan3A_331 : i32 to index
        %swap3A_448 = arith.constant 80 : index
        %swap3A_449 = tpu.vector_load %arg10[%swap3A_446, %swap3A_447, %swap3A_448] {strides = array<i32>} : memref<2x64x128xf32, #tpu.memory_space<vmem>>, vector<1x1x16xf32>,
        %swap3A_450 = vector.shape_cast %swap3A_449 : vector<1x1x16xf32> to vector<16xf32>
        %swap3A_451 = vector.shape_cast %mul3A_444 : vector<16xf32> to vector<1x1x16xf32>
        tpu.vector_store %arg10[%swap3A_446, %swap3A_447, %swap3A_448], %swap3A_451 {strides = array<i32>} : memref<2x64x128xf32, #tpu.memory_space<vmem>>, vector<1x1x16xf32>,
        %get3A_452 = arith.constant 1 : i32
        %get3A_453 = arith.index_cast %get3A_452 : i32 to index
        %get3A_454 = arith.index_cast %scan3A_331 : i32 to index
        %get3A_455 = arith.constant 96 : index
        %get3A_456 = tpu.vector_load %arg10[%get3A_453, %get3A_454, %get3A_455] {strides = array<i32>} : memref<2x64x128xf32, #tpu.memory_space<vmem>>, vector<1x1x16xf32>,
        %get3A_457 = vector.shape_cast %get3A_456 : vector<1x1x16xf32> to vector<16xf32>
        %get3A_458 = arith.constant 1 : i32
        %get3A_459 = arith.index_cast %get3A_458 : i32 to index
        %get3A_460 = arith.index_cast %scan3A_331 : i32 to index
        %get3A_461 = arith.constant 96 : index
        %get3A_462 = tpu.vector_load %arg11[%get3A_459, %get3A_460, %get3A_461] {strides = array<i32>} : memref<2x64x128xf32, #tpu.memory_space<vmem>>, vector<1x1x16xf32>,
        %get3A_463 = vector.shape_cast %get3A_462 : vector<1x1x16xf32> to vector<16xf32>
        %mul3A_464 = arith.mulf %get3A_457, %get3A_463 : vector<16xf32>
        %swap3A_465 = arith.constant 1 : i32
        %swap3A_466 = arith.index_cast %swap3A_465 : i32 to index
        %swap3A_467 = arith.index_cast %scan3A_331 : i32 to index
        %swap3A_468 = arith.constant 96 : index
        %swap3A_469 = tpu.vector_load %arg10[%swap3A_466, %swap3A_467, %swap3A_468] {strides = array<i32>} : memref<2x64x128xf32, #tpu.memory_space<vmem>>, vector<1x1x16xf32>,
        %swap3A_470 = vector.shape_cast %swap3A_469 : vector<1x1x16xf32> to vector<16xf32>
        %swap3A_471 = vector.shape_cast %mul3A_464 : vector<16xf32> to vector<1x1x16xf32>
        tpu.vector_store %arg10[%swap3A_466, %swap3A_467, %swap3A_468], %swap3A_471 {strides = array<i32>} : memref<2x64x128xf32, #tpu.memory_space<vmem>>, vector<1x1x16xf32>,
        %get3A_472 = arith.constant 1 : i32
        %get3A_473 = arith.index_cast %get3A_472 : i32 to index
        %get3A_474 = arith.index_cast %scan3A_331 : i32 to index
        %get3A_475 = arith.constant 112 : index
        %get3A_476 = tpu.vector_load %arg10[%get3A_473, %get3A_474, %get3A_475] {strides = array<i32>} : memref<2x64x128xf32, #tpu.memory_space<vmem>>, vector<1x1x16xf32>,
        %get3A_477 = vector.shape_cast %get3A_476 : vector<1x1x16xf32> to vector<16xf32>
        %get3A_478 = arith.constant 1 : i32
        %get3A_479 = arith.index_cast %get3A_478 : i32 to index
        %get3A_480 = arith.index_cast %scan3A_331 : i32 to index
        %get3A_481 = arith.constant 112 : index
        %get3A_482 = tpu.vector_load %arg11[%get3A_479, %get3A_480, %get3A_481] {strides = array<i32>} : memref<2x64x128xf32, #tpu.memory_space<vmem>>, vector<1x1x16xf32>,
        %get3A_483 = vector.shape_cast %get3A_482 : vector<1x1x16xf32> to vector<16xf32>
        %mul3A_484 = arith.mulf %get3A_477, %get3A_483 : vector<16xf32>
        %swap3A_485 = arith.constant 1 : i32
        %swap3A_486 = arith.index_cast %swap3A_485 : i32 to index
        %swap3A_487 = arith.index_cast %scan3A_331 : i32 to index
        %swap3A_488 = arith.constant 112 : index
        %swap3A_489 = tpu.vector_load %arg10[%swap3A_486, %swap3A_487, %swap3A_488] {strides = array<i32>} : memref<2x64x128xf32, #tpu.memory_space<vmem>>, vector<1x1x16xf32>,
        %swap3A_490 = vector.shape_cast %swap3A_489 : vector<1x1x16xf32> to vector<16xf32>
        %swap3A_491 = vector.shape_cast %mul3A_484 : vector<16xf32> to vector<1x1x16xf32>
        tpu.vector_store %arg10[%swap3A_486, %swap3A_487, %swap3A_488], %swap3A_491 {strides = array<i32>} : memref<2x64x128xf32, #tpu.memory_space<vmem>>, vector<1x1x16xf32>,
      }
      %scan3A_321 = arith.constant 64 : i32
      %run_scoped3A_322 = arith.constant 1 : i32
      %run_scoped3A_323 = arith.constant 1 : i32
      "tpu.region"() ({
        %run_scoped3A_331 = tpu.sem_alloc : memref<!tpu.dma_semaphore, #tpu.memory_space<semaphore_mem>>
        %dma_start3A_332 = arith.constant 0 : i32
        %dma_start3A_333 = arith.constant 0 : i32
        %dma_start3A_334 = tpu.memref_slice %arg10[%run_scoped3A_322, %dma_start3A_332, %dma_start3A_333] : memref<2x64x128xf32, #tpu.memory_space<vmem>> -> memref<1x64x128xf32, #tpu.memory_space<vmem>>
        %dma_start3A_335 = tpu.memref_squeeze %dma_start3A_334 : memref<1x64x128xf32, #tpu.memory_space<vmem>> -> memref<64x128xf32, #tpu.memory_space<vmem>>
        %dma_start3A_336 = arith.constant 0 : i32
        %dma_start3A_337 = tpu.memref_slice %arg9[%run_scoped3A_323, %dma_start3A_336] : memref<2x64xi32, #tpu.memory_space<vmem>> -> memref<1x64xi32, #tpu.memory_space<vmem>>
        %dma_start3A_338 = tpu.memref_squeeze %dma_start3A_337 : memref<1x64xi32, #tpu.memory_space<vmem>> -> memref<64xi32, #tpu.memory_space<vmem>>
        %dma_start3A_339 = arith.constant 0 : i32
        %dma_start3A_340 = arith.constant 0 : i32
        %dma_start3A_341 = tpu.memref_slice %arg12[%dma_start3A_339, %dma_start3A_340] : memref<10112x128xf32, #tpu.memory_space<vmem_shared>> -> memref<10112x128xf32, #tpu.memory_space<vmem_shared>>
        tpu.enqueue_indirect_dma source(%dma_start3A_335 : memref<64x128xf32, #tpu.memory_space<vmem>>) target(%dma_start3A_341 : memref<10112x128xf32, #tpu.memory_space<vmem_shared>>) offsets(%dma_start3A_338 : memref<64xi32, #tpu.memory_space<vmem>>) semaphore(%run_scoped3A_331 : memref<!tpu.dma_semaphore, #tpu.memory_space<semaphore_mem>>) {add = true}
        %dma_wait3A_342 = arith.constant 0 : i32
        %dma_wait3A_343 = arith.constant 0 : i32
        %dma_wait3A_344 = tpu.memref_slice %arg10[%run_scoped3A_322, %dma_wait3A_342, %dma_wait3A_343] : memref<2x64x128xf32, #tpu.memory_space<vmem>> -> memref<1x64x128xf32, #tpu.memory_space<vmem>>
        %dma_wait3A_345 = tpu.memref_squeeze %dma_wait3A_344 : memref<1x64x128xf32, #tpu.memory_space<vmem>> -> memref<64x128xf32, #tpu.memory_space<vmem>>
        %dma_wait3A_346 = arith.constant 0 : i32
        %dma_wait3A_347 = tpu.memref_slice %arg9[%run_scoped3A_323, %dma_wait3A_346] : memref<2x64xi32, #tpu.memory_space<vmem>> -> memref<1x64xi32, #tpu.memory_space<vmem>>
        %dma_wait3A_348 = tpu.memref_squeeze %dma_wait3A_347 : memref<1x64xi32, #tpu.memory_space<vmem>> -> memref<64xi32, #tpu.memory_space<vmem>>
        %dma_wait3A_349 = arith.constant 0 : i32
        %dma_wait3A_350 = arith.constant 0 : i32
        %dma_wait3A_351 = tpu.memref_slice %arg12[%dma_wait3A_349, %dma_wait3A_350] : memref<10112x128xf32, #tpu.memory_space<vmem_shared>> -> memref<10112x128xf32, #tpu.memory_space<vmem_shared>>
        tpu.wait_indirect_dma semaphore(%run_scoped3A_331 : memref<!tpu.dma_semaphore, #tpu.memory_space<semaphore_mem>>) src(%dma_wait3A_345 : memref<64x128xf32, #tpu.memory_space<vmem>>) dst(%dma_wait3A_351 : memref<10112x128xf32, #tpu.memory_space<vmem_shared>>)
        tpu.yield
      }) : () -> ()
      %add3A_324 = arith.constant 2 : i32
      %add3A_325 = arith.addi %add3A_278, %add3A_324 : i32
      %lt3A_326 = arith.constant 160 : i32
      %lt3A_327 = arith.cmpi slt, %add3A_325, %lt3A_326 : i32
      %convert_element_type3A_328 = arith.extui %lt3A_327 : i1 to i32
      %cond3A_329 = arith.constant 0 : i32
      %cond3A_330 = arith.cmpi ne, %convert_element_type3A_328, %cond3A_329 : i32
      scf.if %cond3A_330 {
        %eq3A = arith.constant 80 : i32
        %eq3A_331 = arith.cmpi eq, %add3A_325, %eq3A : i32
        %convert_element_type3A_332 = arith.extui %eq3A_331 : i1 to i32
        %cond3A_333 = arith.constant 0 : i32
        %cond3A_334 = arith.cmpi ne, %convert_element_type3A_332, %cond3A_333 : i32
        scf.if %cond3A_334 {
          %mul3A_426 = arith.constant 160 : i32
          %mul3A_427 = arith.muli %add3A, %mul3A_426 : i32
          %add3A_428 = arith.constant 80 : i32
          %add3A_429 = arith.addi %mul3A_427, %add3A_428 : i32
          "tpu.region"() ({
            %run_scoped3A_430 = tpu.sem_alloc : memref<!tpu.dma_semaphore, #tpu.memory_space<semaphore_mem>>
            %dma_start3A_431 = arith.constant 0 : i32
            %dma_start3A_432 = tpu.memref_slice %arg4[%add3A_429, %dma_start3A_431] : memref<5120x64xi32, #tpu.memory_space<hbm>> -> memref<80x64xi32, #tpu.memory_space<hbm>>
            %dma_start3A_433 = arith.constant 0 : i32
            %dma_start3A_434 = tpu.memref_slice %arg4[%add3A_429, %dma_start3A_433] : memref<5120x64xi32, #tpu.memory_space<hbm>> -> memref<80x64xi32, #tpu.memory_space<hbm>>
            tpu.enqueue_dma source(%dma_start3A_434 : memref<80x64xi32, #tpu.memory_space<hbm>>) target(%arg7 : memref<80x64xi32, #tpu.memory_space<vmem>>) target_semaphore(%run_scoped3A_430 : memref<!tpu.dma_semaphore, #tpu.memory_space<semaphore_mem>>)
            %dma_wait3A_435 = arith.constant 0 : i32
            %dma_wait3A_436 = tpu.memref_slice %arg4[%add3A_429, %dma_wait3A_435] : memref<5120x64xi32, #tpu.memory_space<hbm>> -> memref<80x64xi32, #tpu.memory_space<hbm>>
            %dma_wait3A_437 = arith.constant 0 : i32
            %dma_wait3A_438 = tpu.memref_slice %arg4[%add3A_429, %dma_wait3A_437] : memref<5120x64xi32, #tpu.memory_space<hbm>> -> memref<80x64xi32, #tpu.memory_space<hbm>>
            tpu.wait_dma2 semaphore(%run_scoped3A_430 : memref<!tpu.dma_semaphore, #tpu.memory_space<semaphore_mem>>) src(%dma_wait3A_438 : memref<80x64xi32, #tpu.memory_space<hbm>>) dst(%arg7 : memref<80x64xi32, #tpu.memory_space<vmem>>)
            tpu.yield
          }) : () -> ()
        } else {
        }
        %ge3A = arith.constant 80 : i32
        %ge3A_335 = arith.cmpi sge, %add3A_325, %ge3A : i32
        %sub3A = arith.constant 80 : i32
        %sub3A_336 = arith.subi %add3A_325, %sub3A : i32
        %select_n3A_337 = arith.select %ge3A_335, %sub3A_336, %add3A_325 : i32
        %get3A_338 = arith.index_cast %select_n3A_337 : i32 to index
        %get3A_339 = arith.constant 0 : index
        %get3A_340 = tpu.vector_load %arg7[%get3A_338, %get3A_339] {strides = array<i32>} : memref<80x64xi32, #tpu.memory_space<vmem>>, vector<1x16xi32>,
        %get3A_341 = vector.shape_cast %get3A_340 : vector<1x16xi32> to vector<16xi32>
        %and3A_342 = arith.constant 16383 : i32
        %and3A_343 = vector.broadcast %and3A_342 : i32 to vector<16xi32>
        %and3A_344 = arith.andi %get3A_341, %and3A_343 : vector<16xi32>
        %swap3A_345 = arith.constant 1 : i32
        %swap3A_346 = arith.index_cast %swap3A_345 : i32 to index
        %swap3A_347 = arith.constant 0 : index
        %swap3A_348 = tpu.vector_load %arg8[%swap3A_346, %swap3A_347] {strides = array<i32>} : memref<2x64xi32, #tpu.memory_space<vmem>>, vector<1x16xi32>,
        %swap3A_349 = vector.shape_cast %swap3A_348 : vector<1x16xi32> to vector<16xi32>
        %swap3A_350 = vector.shape_cast %and3A_344 : vector<16xi32> to vector<1x16xi32>
        tpu.vector_store %arg8[%swap3A_346, %swap3A_347], %swap3A_350 {strides = array<i32>} : memref<2x64xi32, #tpu.memory_space<vmem>>, vector<1x16xi32>,
        %shift_right_logical3A_351 = arith.constant 14 : i32
        %shift_right_logical3A_352 = vector.broadcast %shift_right_logical3A_351 : i32 to vector<16xi32>
        %shift_right_logical3A_353 = arith.shrui %get3A_341, %shift_right_logical3A_352 : vector<16xi32>
        %swap3A_354 = arith.constant 1 : i32
        %swap3A_355 = arith.index_cast %swap3A_354 : i32 to index
        %swap3A_356 = arith.constant 0 : index
        %swap3A_357 = tpu.vector_load %arg9[%swap3A_355, %swap3A_356] {strides = array<i32>} : memref<2x64xi32, #tpu.memory_space<vmem>>, vector<1x16xi32>,
        %swap3A_358 = vector.shape_cast %swap3A_357 : vector<1x16xi32> to vector<16xi32>
        %swap3A_359 = vector.shape_cast %shift_right_logical3A_353 : vector<16xi32> to vector<1x16xi32>
        tpu.vector_store %arg9[%swap3A_355, %swap3A_356], %swap3A_359 {strides = array<i32>} : memref<2x64xi32, #tpu.memory_space<vmem>>, vector<1x16xi32>,
        %get3A_360 = arith.index_cast %select_n3A_337 : i32 to index
        %get3A_361 = arith.constant 16 : index
        %get3A_362 = tpu.vector_load %arg7[%get3A_360, %get3A_361] {strides = array<i32>} : memref<80x64xi32, #tpu.memory_space<vmem>>, vector<1x16xi32>,
        %get3A_363 = vector.shape_cast %get3A_362 : vector<1x16xi32> to vector<16xi32>
        %and3A_364 = arith.constant 16383 : i32
        %and3A_365 = vector.broadcast %and3A_364 : i32 to vector<16xi32>
        %and3A_366 = arith.andi %get3A_363, %and3A_365 : vector<16xi32>
        %swap3A_367 = arith.constant 1 : i32
        %swap3A_368 = arith.index_cast %swap3A_367 : i32 to index
        %swap3A_369 = arith.constant 16 : index
        %swap3A_370 = tpu.vector_load %arg8[%swap3A_368, %swap3A_369] {strides = array<i32>} : memref<2x64xi32, #tpu.memory_space<vmem>>, vector<1x16xi32>,
        %swap3A_371 = vector.shape_cast %swap3A_370 : vector<1x16xi32> to vector<16xi32>
        %swap3A_372 = vector.shape_cast %and3A_366 : vector<16xi32> to vector<1x16xi32>
        tpu.vector_store %arg8[%swap3A_368, %swap3A_369], %swap3A_372 {strides = array<i32>} : memref<2x64xi32, #tpu.memory_space<vmem>>, vector<1x16xi32>,
        %shift_right_logical3A_373 = arith.constant 14 : i32
        %shift_right_logical3A_374 = vector.broadcast %shift_right_logical3A_373 : i32 to vector<16xi32>
        %shift_right_logical3A_375 = arith.shrui %get3A_363, %shift_right_logical3A_374 : vector<16xi32>
        %swap3A_376 = arith.constant 1 : i32
        %swap3A_377 = arith.index_cast %swap3A_376 : i32 to index
        %swap3A_378 = arith.constant 16 : index
        %swap3A_379 = tpu.vector_load %arg9[%swap3A_377, %swap3A_378] {strides = array<i32>} : memref<2x64xi32, #tpu.memory_space<vmem>>, vector<1x16xi32>,
        %swap3A_380 = vector.shape_cast %swap3A_379 : vector<1x16xi32> to vector<16xi32>
        %swap3A_381 = vector.shape_cast %shift_right_logical3A_375 : vector<16xi32> to vector<1x16xi32>
        tpu.vector_store %arg9[%swap3A_377, %swap3A_378], %swap3A_381 {strides = array<i32>} : memref<2x64xi32, #tpu.memory_space<vmem>>, vector<1x16xi32>,
        %get3A_382 = arith.index_cast %select_n3A_337 : i32 to index
        %get3A_383 = arith.constant 32 : index
        %get3A_384 = tpu.vector_load %arg7[%get3A_382, %get3A_383] {strides = array<i32>} : memref<80x64xi32, #tpu.memory_space<vmem>>, vector<1x16xi32>,
        %get3A_385 = vector.shape_cast %get3A_384 : vector<1x16xi32> to vector<16xi32>
        %and3A_386 = arith.constant 16383 : i32
        %and3A_387 = vector.broadcast %and3A_386 : i32 to vector<16xi32>
        %and3A_388 = arith.andi %get3A_385, %and3A_387 : vector<16xi32>
        %swap3A_389 = arith.constant 1 : i32
        %swap3A_390 = arith.index_cast %swap3A_389 : i32 to index
        %swap3A_391 = arith.constant 32 : index
        %swap3A_392 = tpu.vector_load %arg8[%swap3A_390, %swap3A_391] {strides = array<i32>} : memref<2x64xi32, #tpu.memory_space<vmem>>, vector<1x16xi32>,
        %swap3A_393 = vector.shape_cast %swap3A_392 : vector<1x16xi32> to vector<16xi32>
        %swap3A_394 = vector.shape_cast %and3A_388 : vector<16xi32> to vector<1x16xi32>
        tpu.vector_store %arg8[%swap3A_390, %swap3A_391], %swap3A_394 {strides = array<i32>} : memref<2x64xi32, #tpu.memory_space<vmem>>, vector<1x16xi32>,
        %shift_right_logical3A_395 = arith.constant 14 : i32
        %shift_right_logical3A_396 = vector.broadcast %shift_right_logical3A_395 : i32 to vector<16xi32>
        %shift_right_logical3A_397 = arith.shrui %get3A_385, %shift_right_logical3A_396 : vector<16xi32>
        %swap3A_398 = arith.constant 1 : i32
        %swap3A_399 = arith.index_cast %swap3A_398 : i32 to index
        %swap3A_400 = arith.constant 32 : index
        %swap3A_401 = tpu.vector_load %arg9[%swap3A_399, %swap3A_400] {strides = array<i32>} : memref<2x64xi32, #tpu.memory_space<vmem>>, vector<1x16xi32>,
        %swap3A_402 = vector.shape_cast %swap3A_401 : vector<1x16xi32> to vector<16xi32>
        %swap3A_403 = vector.shape_cast %shift_right_logical3A_397 : vector<16xi32> to vector<1x16xi32>
        tpu.vector_store %arg9[%swap3A_399, %swap3A_400], %swap3A_403 {strides = array<i32>} : memref<2x64xi32, #tpu.memory_space<vmem>>, vector<1x16xi32>,
        %get3A_404 = arith.index_cast %select_n3A_337 : i32 to index
        %get3A_405 = arith.constant 48 : index
        %get3A_406 = tpu.vector_load %arg7[%get3A_404, %get3A_405] {strides = array<i32>} : memref<80x64xi32, #tpu.memory_space<vmem>>, vector<1x16xi32>,
        %get3A_407 = vector.shape_cast %get3A_406 : vector<1x16xi32> to vector<16xi32>
        %and3A_408 = arith.constant 16383 : i32
        %and3A_409 = vector.broadcast %and3A_408 : i32 to vector<16xi32>
        %and3A_410 = arith.andi %get3A_407, %and3A_409 : vector<16xi32>
        %swap3A_411 = arith.constant 1 : i32
        %swap3A_412 = arith.index_cast %swap3A_411 : i32 to index
        %swap3A_413 = arith.constant 48 : index
        %swap3A_414 = tpu.vector_load %arg8[%swap3A_412, %swap3A_413] {strides = array<i32>} : memref<2x64xi32, #tpu.memory_space<vmem>>, vector<1x16xi32>,
        %swap3A_415 = vector.shape_cast %swap3A_414 : vector<1x16xi32> to vector<16xi32>
        %swap3A_416 = vector.shape_cast %and3A_410 : vector<16xi32> to vector<1x16xi32>
        tpu.vector_store %arg8[%swap3A_412, %swap3A_413], %swap3A_416 {strides = array<i32>} : memref<2x64xi32, #tpu.memory_space<vmem>>, vector<1x16xi32>,
        %shift_right_logical3A_417 = arith.constant 14 : i32
        %shift_right_logical3A_418 = vector.broadcast %shift_right_logical3A_417 : i32 to vector<16xi32>
        %shift_right_logical3A_419 = arith.shrui %get3A_407, %shift_right_logical3A_418 : vector<16xi32>
        %swap3A_420 = arith.constant 1 : i32
        %swap3A_421 = arith.index_cast %swap3A_420 : i32 to index
        %swap3A_422 = arith.constant 48 : index
        %swap3A_423 = tpu.vector_load %arg9[%swap3A_421, %swap3A_422] {strides = array<i32>} : memref<2x64xi32, #tpu.memory_space<vmem>>, vector<1x16xi32>,
        %swap3A_424 = vector.shape_cast %swap3A_423 : vector<1x16xi32> to vector<16xi32>
        %swap3A_425 = vector.shape_cast %shift_right_logical3A_419 : vector<16xi32> to vector<1x16xi32>
        tpu.vector_store %arg9[%swap3A_421, %swap3A_422], %swap3A_425 {strides = array<i32>} : memref<2x64xi32, #tpu.memory_space<vmem>>, vector<1x16xi32>,
      } else {
      }
    }
    %scan3A_217 = arith.constant 80 : i32
    %barrier3A_218 = arith.constant 0 : index
    tpu.barrier barrier_id(%barrier3A_218)
    %mul3A_219 = arith.constant 632 : i32
    %mul3A_220 = arith.muli %arg1, %mul3A_219 : i32
    %mul3A_221 = arith.constant 632 : i32
    %mul3A_222 = arith.muli %arg1, %mul3A_221 : i32
    "tpu.region"() ({
      %run_scoped3A = tpu.sem_alloc : memref<!tpu.dma_semaphore, #tpu.memory_space<semaphore_mem>>
      %dma_start3A_223 = arith.constant 0 : i32
      %dma_start3A_224 = tpu.memref_slice %arg6[%arg0, %mul3A_222, %dma_start3A_223] : memref<2x10112x128xf32, #tpu.memory_space<hbm>> -> memref<1x632x128xf32, #tpu.memory_space<hbm>>
      %dma_start3A_225 = tpu.memref_squeeze %dma_start3A_224 : memref<1x632x128xf32, #tpu.memory_space<hbm>> -> memref<632x128xf32, #tpu.memory_space<hbm>>
      %dma_start3A_226 = arith.constant 0 : i32
      %dma_start3A_227 = tpu.memref_slice %arg12[%mul3A_220, %dma_start3A_226] : memref<10112x128xf32, #tpu.memory_space<vmem_shared>> -> memref<632x128xf32, #tpu.memory_space<vmem_shared>>
      tpu.enqueue_dma source(%dma_start3A_227 : memref<632x128xf32, #tpu.memory_space<vmem_shared>>) target(%dma_start3A_225 : memref<632x128xf32, #tpu.memory_space<hbm>>) target_semaphore(%run_scoped3A : memref<!tpu.dma_semaphore, #tpu.memory_space<semaphore_mem>>)
      %dma_wait3A = arith.constant 0 : i32
      %dma_wait3A_228 = tpu.memref_slice %arg6[%arg0, %mul3A_222, %dma_wait3A] : memref<2x10112x128xf32, #tpu.memory_space<hbm>> -> memref<1x632x128xf32, #tpu.memory_space<hbm>>
      %dma_wait3A_229 = tpu.memref_squeeze %dma_wait3A_228 : memref<1x632x128xf32, #tpu.memory_space<hbm>> -> memref<632x128xf32, #tpu.memory_space<hbm>>
      %dma_wait3A_230 = arith.constant 0 : i32
      %dma_wait3A_231 = tpu.memref_slice %arg12[%mul3A_220, %dma_wait3A_230] : memref<10112x128xf32, #tpu.memory_space<vmem_shared>> -> memref<632x128xf32, #tpu.memory_space<vmem_shared>>
      tpu.wait_dma2 semaphore(%run_scoped3A : memref<!tpu.dma_semaphore, #tpu.memory_space<semaphore_mem>>) src(%dma_wait3A_231 : memref<632x128xf32, #tpu.memory_space<vmem_shared>>) dst(%dma_wait3A_229 : memref<632x128xf32, #tpu.memory_space<hbm>>)
      tpu.yield
    }) : () -> ()
    return
  }
}

module attributes {stable_mosaic.version = 14 : i64} {
  func.func @_coeff_body(%arg0: i32, %arg1: memref<2048x16xf32, #tpu.memory_space<vmem>>, %arg2: memref<16x128xf32, #tpu.memory_space<vmem>>, %arg3: memref<1x128xf32, #tpu.memory_space<vmem>>, %arg4: memref<1x128xf32, #tpu.memory_space<vmem>>, %arg5: memref<2048x1xf32, #tpu.memory_space<vmem>>, %arg6: memref<2048x128xf32, #tpu.memory_space<vmem>>) attributes {dimension_semantics = [#tpu.dimension_semantics<arbitrary>], iteration_bounds = array<i64: 160>, scalar_prefetch = 0 : i64, scratch_operands = 0 : i64, tpu.core_type = #tpu.core_type<tc>, window_params = [{transform_indices = @transform_0, window_bounds = array<i64: 2048, 16>}, {pipeline_mode = #tpu.pipeline_mode<synchronous>, transform_indices = @transform_1, window_bounds = array<i64: 16, 128>}, {pipeline_mode = #tpu.pipeline_mode<synchronous>, transform_indices = @transform_2, window_bounds = array<i64: 1, 128>}, {pipeline_mode = #tpu.pipeline_mode<synchronous>, transform_indices = @transform_3, window_bounds = array<i64: 1, 128>}, {transform_indices = @transform_4, window_bounds = array<i64: 2048, 1>}, {transform_indices = @transform_5, window_bounds = array<i64: 2048, 128>}]} {
    %get3A = arith.constant 0 : index
    %get3A_0 = arith.constant 0 : index
    %get3A_1 = vector.load %arg2[%get3A, %get3A_0] : memref<16x128xf32, #tpu.memory_space<vmem>>, vector<16x128xf32>
    %mul3A = arith.mulf %get3A_1, %get3A_1 : vector<16x128xf32>
    %reduce_sum3A = arith.constant dense<0.000000e+00> : vector<128xf32>
    %reduce_sum3A_2 = vector.multi_reduction <add>, %mul3A, %reduce_sum3A [0] : vector<16x128xf32> to vector<128xf32>
    %broadcast_in_dim3A = vector.shape_cast %reduce_sum3A_2 : vector<128xf32> to vector<1x128xf32>
    %add3A = arith.constant 9.99999996E-13 : f32
    %add3A_3 = vector.broadcast %add3A : f32 to vector<1x128xf32>
    %add3A_4 = arith.addf %broadcast_in_dim3A, %add3A_3 : vector<1x128xf32>
    %sqrt3A = math.sqrt %add3A_4 : vector<1x128xf32>
    %get3A_5 = arith.constant 0 : index
    %get3A_6 = arith.constant 0 : index
    %get3A_7 = vector.load %arg3[%get3A_5, %get3A_6] : memref<1x128xf32, #tpu.memory_space<vmem>>, vector<1x128xf32>
    %div3A = arith.divf %get3A_7, %sqrt3A : vector<1x128xf32>
    %mul3A_8 = vector.broadcast %div3A : vector<1x128xf32> to vector<16x128xf32>
    %mul3A_9 = arith.mulf %get3A_1, %mul3A_8 : vector<16x128xf32>
    %get3A_10 = arith.constant 0 : index
    %get3A_11 = arith.constant 0 : index
    %get3A_12 = vector.load %arg1[%get3A_10, %get3A_11] : memref<2048x16xf32, #tpu.memory_space<vmem>>, vector<2048x16xf32>
    %dot_general3A = arith.constant dense<0.000000e+00> : vector<2048x128xf32>
    %dot_general3A_13 = tpu.matmul %get3A_12, %mul3A_9, %dot_general3A {dimension_numbers = #tpu.dot_dimension_numbers<[1], [0], [0], [1], [0, 0, 1, 1], [], []>, transpose_lhs_hint = false} : vector<2048x16xf32>, vector<16x128xf32>, vector<2048x128xf32> -> vector<2048x128xf32>
    %get3A_14 = arith.constant 0 : index
    %get3A_15 = arith.constant 0 : index
    %get3A_16 = vector.load %arg4[%get3A_14, %get3A_15] : memref<1x128xf32, #tpu.memory_space<vmem>>, vector<1x128xf32>
    %add3A_17 = vector.broadcast %get3A_16 : vector<1x128xf32> to vector<2048x128xf32>
    %add3A_18 = arith.addf %dot_general3A_13, %add3A_17 : vector<2048x128xf32>
    %tanh3A = math.tanh %add3A_18 : vector<2048x128xf32>
    %get3A_19 = arith.constant 0 : index
    %get3A_20 = arith.constant 0 : index
    %get3A_21 = vector.load %arg5[%get3A_19, %get3A_20] : memref<2048x1xf32, #tpu.memory_space<vmem>>, vector<2048x1xf32>
    %mul3A_22 = vector.broadcast %get3A_21 : vector<2048x1xf32> to vector<2048x128xf32>
    %mul3A_23 = arith.mulf %tanh3A, %mul3A_22 : vector<2048x128xf32>
    %swap3A = arith.constant 0 : index
    %swap3A_24 = arith.constant 0 : index
    %swap3A_25 = vector.load %arg6[%swap3A, %swap3A_24] : memref<2048x128xf32, #tpu.memory_space<vmem>>, vector<2048x128xf32>
    tpu.vector_store %arg6[%swap3A, %swap3A_24], %mul3A_23 {strides = array<i32>} : memref<2048x128xf32, #tpu.memory_space<vmem>>, vector<2048x128xf32>,
    return
  }
  func.func @transform_0(%arg0: i32) -> (i32, i32) {
    %c0_i32 = arith.constant 0 : i32
    %c0_i32_0 = arith.constant 0 : i32
    return %arg0, %c0_i32 : i32, i32
  }
  func.func @transform_1(%arg0: i32) -> (i32, i32) {
    %c0_i32 = arith.constant 0 : i32
    %c0_i32_0 = arith.constant 0 : i32
    %c0_i32_1 = arith.constant 0 : i32
    return %c0_i32, %c0_i32_0 : i32, i32
  }
  func.func @transform_2(%arg0: i32) -> (i32, i32) {
    %c0_i32 = arith.constant 0 : i32
    %c0_i32_0 = arith.constant 0 : i32
    %c0_i32_1 = arith.constant 0 : i32
    return %c0_i32, %c0_i32_0 : i32, i32
  }
  func.func @transform_3(%arg0: i32) -> (i32, i32) {
    %c0_i32 = arith.constant 0 : i32
    %c0_i32_0 = arith.constant 0 : i32
    %c0_i32_1 = arith.constant 0 : i32
    return %c0_i32, %c0_i32_0 : i32, i32
  }
  func.func @transform_4(%arg0: i32) -> (i32, i32) {
    %c0_i32 = arith.constant 0 : i32
    %c0_i32_0 = arith.constant 0 : i32
    return %arg0, %c0_i32 : i32, i32
  }
  func.func @transform_5(%arg0: i32) -> (i32, i32) {
    %c0_i32 = arith.constant 0 : i32
    %c0_i32_0 = arith.constant 0 : i32
    return %arg0, %c0_i32 : i32, i32
  }
}

module attributes {stable_mosaic.version = 14 : i64} {
  func.func @_h_body(%arg0: i32, %arg1: memref<1000x128xf32, #tpu.memory_space<vmem>>, %arg2: memref<1000x128xf32, #tpu.memory_space<vmem>>, %arg3: memref<128x128xf32, #tpu.memory_space<vmem>>, %arg4: memref<1x128xf32, #tpu.memory_space<vmem>>, %arg5: memref<128x256xf32, #tpu.memory_space<vmem>>, %arg6: memref<1x256xf32, #tpu.memory_space<vmem>>, %arg7: memref<1x256xf32, #tpu.memory_space<vmem>>, %arg8: memref<1000x128xf32, #tpu.memory_space<vmem>>) attributes {dimension_semantics = [#tpu.dimension_semantics<arbitrary>], iteration_bounds = array<i64: 10>, scalar_prefetch = 0 : i64, scratch_operands = 0 : i64, tpu.core_type = #tpu.core_type<tc>, window_params = [{transform_indices = @transform_0, window_bounds = array<i64: 1000, 128>}, {transform_indices = @transform_1, window_bounds = array<i64: 1000, 128>}, {pipeline_mode = #tpu.pipeline_mode<synchronous>, transform_indices = @transform_2, window_bounds = array<i64: 128, 128>}, {pipeline_mode = #tpu.pipeline_mode<synchronous>, transform_indices = @transform_3, window_bounds = array<i64: 1, 128>}, {pipeline_mode = #tpu.pipeline_mode<synchronous>, transform_indices = @transform_4, window_bounds = array<i64: 128, 256>}, {pipeline_mode = #tpu.pipeline_mode<synchronous>, transform_indices = @transform_5, window_bounds = array<i64: 1, 256>}, {pipeline_mode = #tpu.pipeline_mode<synchronous>, transform_indices = @transform_6, window_bounds = array<i64: 1, 256>}, {transform_indices = @transform_7, window_bounds = array<i64: 1000, 128>}]} {
    %get3A = arith.constant 0 : index
    %get3A_0 = arith.constant 0 : index
    %get3A_1 = vector.load %arg1[%get3A, %get3A_0] : memref<1000x128xf32, #tpu.memory_space<vmem>>, vector<1000x128xf32>
    %get3A_2 = arith.constant 0 : index
    %get3A_3 = arith.constant 0 : index
    %get3A_4 = vector.load %arg3[%get3A_2, %get3A_3] : memref<128x128xf32, #tpu.memory_space<vmem>>, vector<128x128xf32>
    %dot_general3A = arith.constant dense<0.000000e+00> : vector<1000x128xf32>
    %dot_general3A_5 = tpu.matmul %get3A_1, %get3A_4, %dot_general3A {dimension_numbers = #tpu.dot_dimension_numbers<[1], [0], [0], [1], [0, 0, 1, 1], [], []>, transpose_lhs_hint = false} : vector<1000x128xf32>, vector<128x128xf32>, vector<1000x128xf32> -> vector<1000x128xf32>
    %get3A_6 = arith.constant 0 : index
    %get3A_7 = arith.constant 0 : index
    %get3A_8 = vector.load %arg4[%get3A_6, %get3A_7] : memref<1x128xf32, #tpu.memory_space<vmem>>, vector<1x128xf32>
    %add3A = vector.broadcast %get3A_8 : vector<1x128xf32> to vector<1000x128xf32>
    %add3A_9 = arith.addf %dot_general3A_5, %add3A : vector<1000x128xf32>
    %reduce_sum3A = arith.constant dense<0.000000e+00> : vector<1000xf32>
    %reduce_sum3A_10 = vector.multi_reduction <add>, %add3A_9, %reduce_sum3A [1] : vector<1000x128xf32> to vector<1000xf32>
    %broadcast_in_dim3A = vector.shape_cast %reduce_sum3A_10 : vector<1000xf32> to vector<1000x1xf32>
    %div3A = arith.constant 1.280000e+02 : f32
    %div3A_11 = vector.broadcast %div3A : f32 to vector<1000x1xf32>
    %div3A_12 = arith.divf %broadcast_in_dim3A, %div3A_11 : vector<1000x1xf32>
    %sub3A = vector.broadcast %div3A_12 : vector<1000x1xf32> to vector<1000x128xf32>
    %sub3A_13 = arith.subf %add3A_9, %sub3A : vector<1000x128xf32>
    %sub3A_14 = vector.broadcast %div3A_12 : vector<1000x1xf32> to vector<1000x128xf32>
    %sub3A_15 = arith.subf %add3A_9, %sub3A_14 : vector<1000x128xf32>
    %mul3A = arith.mulf %sub3A_13, %sub3A_15 : vector<1000x128xf32>
    %reduce_sum3A_16 = arith.constant dense<0.000000e+00> : vector<1000xf32>
    %reduce_sum3A_17 = vector.multi_reduction <add>, %mul3A, %reduce_sum3A_16 [1] : vector<1000x128xf32> to vector<1000xf32>
    %broadcast_in_dim3A_18 = vector.shape_cast %reduce_sum3A_17 : vector<1000xf32> to vector<1000x1xf32>
    %div3A_19 = arith.constant 1.280000e+02 : f32
    %div3A_20 = vector.broadcast %div3A_19 : f32 to vector<1000x1xf32>
    %div3A_21 = arith.divf %broadcast_in_dim3A_18, %div3A_20 : vector<1000x1xf32>
    %sub3A_22 = vector.broadcast %div3A_12 : vector<1000x1xf32> to vector<1000x128xf32>
    %sub3A_23 = arith.subf %add3A_9, %sub3A_22 : vector<1000x128xf32>
    %add3A_24 = arith.constant 9.99999974E-6 : f32
    %add3A_25 = vector.broadcast %add3A_24 : f32 to vector<1000x1xf32>
    %add3A_26 = arith.addf %div3A_21, %add3A_25 : vector<1000x1xf32>
    %rsqrt3A = math.rsqrt %add3A_26 : vector<1000x1xf32>
    %mul3A_27 = vector.broadcast %rsqrt3A : vector<1000x1xf32> to vector<1000x128xf32>
    %mul3A_28 = arith.mulf %sub3A_23, %mul3A_27 : vector<1000x128xf32>
    %get3A_29 = arith.constant 0 : index
    %get3A_30 = arith.constant 0 : index
    %get3A_31 = vector.load %arg5[%get3A_29, %get3A_30] : memref<128x256xf32, #tpu.memory_space<vmem>>, vector<128x256xf32>
    %mul3A_32 = arith.mulf %get3A_31, %get3A_31 : vector<128x256xf32>
    %reduce_sum3A_33 = arith.constant dense<0.000000e+00> : vector<256xf32>
    %reduce_sum3A_34 = vector.multi_reduction <add>, %mul3A_32, %reduce_sum3A_33 [0] : vector<128x256xf32> to vector<256xf32>
    %broadcast_in_dim3A_35 = vector.shape_cast %reduce_sum3A_34 : vector<256xf32> to vector<1x256xf32>
    %add3A_36 = arith.constant 9.99999996E-13 : f32
    %add3A_37 = vector.broadcast %add3A_36 : f32 to vector<1x256xf32>
    %add3A_38 = arith.addf %broadcast_in_dim3A_35, %add3A_37 : vector<1x256xf32>
    %sqrt3A = math.sqrt %add3A_38 : vector<1x256xf32>
    %get3A_39 = arith.constant 0 : index
    %get3A_40 = arith.constant 0 : index
    %get3A_41 = vector.load %arg6[%get3A_39, %get3A_40] : memref<1x256xf32, #tpu.memory_space<vmem>>, vector<1x256xf32>
    %div3A_42 = arith.divf %get3A_41, %sqrt3A : vector<1x256xf32>
    %mul3A_43 = vector.broadcast %div3A_42 : vector<1x256xf32> to vector<128x256xf32>
    %mul3A_44 = arith.mulf %get3A_31, %mul3A_43 : vector<128x256xf32>
    %get3A_45 = arith.constant 0 : index
    %get3A_46 = arith.constant 0 : index
    %get3A_47 = vector.load %arg2[%get3A_45, %get3A_46] : memref<1000x128xf32, #tpu.memory_space<vmem>>, vector<1000x128xf32>
    %dot_general3A_48 = arith.constant dense<0.000000e+00> : vector<1000x256xf32>
    %dot_general3A_49 = tpu.matmul %get3A_47, %mul3A_44, %dot_general3A_48 {dimension_numbers = #tpu.dot_dimension_numbers<[1], [0], [0], [1], [0, 0, 1, 1], [], []>, transpose_lhs_hint = false} : vector<1000x128xf32>, vector<128x256xf32>, vector<1000x256xf32> -> vector<1000x256xf32>
    %get3A_50 = arith.constant 0 : index
    %get3A_51 = arith.constant 0 : index
    %get3A_52 = vector.load %arg7[%get3A_50, %get3A_51] : memref<1x256xf32, #tpu.memory_space<vmem>>, vector<1x256xf32>
    %add3A_53 = vector.broadcast %get3A_52 : vector<1x256xf32> to vector<1000x256xf32>
    %add3A_54 = arith.addf %dot_general3A_49, %add3A_53 : vector<1000x256xf32>
    %slice3A = vector.extract_strided_slice %add3A_54 {offsets = [0, 0], sizes = [1000, 128], strides = [1, 1]} : vector<1000x256xf32> to vector<1000x128xf32>
    %add3A_55 = arith.constant 1.000000e+00 : f32
    %add3A_56 = vector.broadcast %add3A_55 : f32 to vector<1000x128xf32>
    %add3A_57 = arith.addf %slice3A, %add3A_56 : vector<1000x128xf32>
    %slice3A_58 = vector.extract_strided_slice %add3A_54 {offsets = [0, 128], sizes = [1000, 128], strides = [1, 1]} : vector<1000x256xf32> to vector<1000x128xf32>
    %mul3A_59 = arith.mulf %add3A_57, %mul3A_28 : vector<1000x128xf32>
    %add3A_60 = arith.addf %mul3A_59, %slice3A_58 : vector<1000x128xf32>
    %max3A = arith.constant 0.000000e+00 : f32
    %max3A_61 = vector.broadcast %max3A : f32 to vector<1000x128xf32>
    %max3A_62 = arith.maximumf %add3A_60, %max3A_61 : vector<1000x128xf32>
    %swap3A = arith.constant 0 : index
    %swap3A_63 = arith.constant 0 : index
    %swap3A_64 = vector.load %arg8[%swap3A, %swap3A_63] : memref<1000x128xf32, #tpu.memory_space<vmem>>, vector<1000x128xf32>
    tpu.vector_store %arg8[%swap3A, %swap3A_63], %max3A_62 {strides = array<i32>} : memref<1000x128xf32, #tpu.memory_space<vmem>>, vector<1000x128xf32>,
    return
  }
  func.func @transform_0(%arg0: i32) -> (i32, i32) {
    %c0_i32 = arith.constant 0 : i32
    %c0_i32_0 = arith.constant 0 : i32
    return %arg0, %c0_i32 : i32, i32
  }
  func.func @transform_1(%arg0: i32) -> (i32, i32) {
    %c0_i32 = arith.constant 0 : i32
    %c0_i32_0 = arith.constant 0 : i32
    return %arg0, %c0_i32 : i32, i32
  }
  func.func @transform_2(%arg0: i32) -> (i32, i32) {
    %c0_i32 = arith.constant 0 : i32
    %c0_i32_0 = arith.constant 0 : i32
    %c0_i32_1 = arith.constant 0 : i32
    return %c0_i32, %c0_i32_0 : i32, i32
  }
  func.func @transform_3(%arg0: i32) -> (i32, i32) {
    %c0_i32 = arith.constant 0 : i32
    %c0_i32_0 = arith.constant 0 : i32
    %c0_i32_1 = arith.constant 0 : i32
    return %c0_i32, %c0_i32_0 : i32, i32
  }
  func.func @transform_4(%arg0: i32) -> (i32, i32) {
    %c0_i32 = arith.constant 0 : i32
    %c0_i32_0 = arith.constant 0 : i32
    %c0_i32_1 = arith.constant 0 : i32
    return %c0_i32, %c0_i32_0 : i32, i32
  }
  func.func @transform_5(%arg0: i32) -> (i32, i32) {
    %c0_i32 = arith.constant 0 : i32
    %c0_i32_0 = arith.constant 0 : i32
    %c0_i32_1 = arith.constant 0 : i32
    return %c0_i32, %c0_i32_0 : i32, i32
  }
  func.func @transform_6(%arg0: i32) -> (i32, i32) {
    %c0_i32 = arith.constant 0 : i32
    %c0_i32_0 = arith.constant 0 : i32
    %c0_i32_1 = arith.constant 0 : i32
    return %c0_i32, %c0_i32_0 : i32, i32
  }
  func.func @transform_7(%arg0: i32) -> (i32, i32) {
    %c0_i32 = arith.constant 0 : i32
    %c0_i32_0 = arith.constant 0 : i32
    return %arg0, %c0_i32 : i32, i32
  }
}

module attributes {stable_mosaic.version = 14 : i64} {
  func.func @_sum_body(%arg0: i32, %arg1: memref<1x1000x128xf32, #tpu.memory_space<vmem>>, %arg2: memref<1x1000x128xf32, #tpu.memory_space<vmem>>, %arg3: memref<1000x128xf32, #tpu.memory_space<vmem>>) attributes {dimension_semantics = [#tpu.dimension_semantics<arbitrary>], iteration_bounds = array<i64: 10>, scalar_prefetch = 0 : i64, scratch_operands = 0 : i64, tpu.core_type = #tpu.core_type<tc>, window_params = [{transform_indices = @transform_0, window_bounds = array<i64: 1, 1000, 128>}, {transform_indices = @transform_1, window_bounds = array<i64: 1, 1000, 128>}, {transform_indices = @transform_2, window_bounds = array<i64: 1000, 128>}]} {
    %get3A = arith.constant 0 : index
    %get3A_0 = arith.constant 0 : index
    %get3A_1 = arith.constant 0 : index
    %get3A_2 = vector.load %arg1[%get3A, %get3A_0, %get3A_1] : memref<1x1000x128xf32, #tpu.memory_space<vmem>>, vector<1x1000x128xf32>
    %get3A_3 = vector.shape_cast %get3A_2 : vector<1x1000x128xf32> to vector<1000x128xf32>
    %get3A_4 = arith.constant 0 : index
    %get3A_5 = arith.constant 0 : index
    %get3A_6 = arith.constant 0 : index
    %get3A_7 = vector.load %arg2[%get3A_4, %get3A_5, %get3A_6] : memref<1x1000x128xf32, #tpu.memory_space<vmem>>, vector<1x1000x128xf32>
    %get3A_8 = vector.shape_cast %get3A_7 : vector<1x1000x128xf32> to vector<1000x128xf32>
    %add3A = arith.addf %get3A_3, %get3A_8 : vector<1000x128xf32>
    %swap3A = arith.constant 0 : index
    %swap3A_9 = arith.constant 0 : index
    %swap3A_10 = vector.load %arg3[%swap3A, %swap3A_9] : memref<1000x128xf32, #tpu.memory_space<vmem>>, vector<1000x128xf32>
    tpu.vector_store %arg3[%swap3A, %swap3A_9], %add3A {strides = array<i32>} : memref<1000x128xf32, #tpu.memory_space<vmem>>, vector<1000x128xf32>,
    return
  }
  func.func @transform_0(%arg0: i32) -> (i32, i32, i32) {
    %c0_i32 = arith.constant 0 : i32
    %c0_i32_0 = arith.constant 0 : i32
    %c0_i32_1 = arith.constant 0 : i32
    return %c0_i32, %arg0, %c0_i32_0 : i32, i32, i32
  }
  func.func @transform_1(%arg0: i32) -> (i32, i32, i32) {
    %c1_i32 = arith.constant 1 : i32
    %c0_i32 = arith.constant 0 : i32
    %c0_i32_0 = arith.constant 0 : i32
    return %c1_i32, %arg0, %c0_i32 : i32, i32, i32
  }
  func.func @transform_2(%arg0: i32) -> (i32, i32) {
    %c0_i32 = arith.constant 0 : i32
    %c0_i32_0 = arith.constant 0 : i32
    return %arg0, %c0_i32 : i32, i32
  }
}

</mosaic_0001>

<sc_bundles>
// kernel: kernel.6.cloned.1.call-start
scs
__scs_entry_jumppad:
0x0: {  	(pc) =	sbr.rel $0x88, $3  }
0x1: {  	(tag) =	ssettag $0x0;
	lr =	simm.s32 $0x1  }
0x2: {  	[smem:$0x3F94] =	sst lr;
	_ =	strace $0xD0000000  }
0x3: {  	_ = 	snop  }
0x4: {  	_ = 	snop  }
0x5: {  	_ = 	snop  }
0x6: {  	_ = 	snop  }
0x7: {  	_ = 	snop  }
__scs_overlays_trampoline_lowered:
0x8: {  	[smem:$0x3FA3] =	sst s0  }
0x9: {  	[smem:$0x3FA4] =	sst s1  }
0xa: {  	[smem:$0x3FA5] =	sst s2  }
0xb: {  	[smem:$0x3FA6] =	sst s3  }
0xc: {  	[smem:$0x3FA7] =	sst s4  }
0xd: {  	[smem:$0x3FA8] =	sst s5  }
0xe: {  	[smem:$0x3FA9] =	sst s6  }
0xf: {  	[smem:$0x3FAA] =	sst s7  }
0x10: {  	[smem:$0x3FAB] =	sst s8  }
0x11: {  	[smem:$0x3FAC] =	sst s9;
	s0 =	simm.s32 @!p0 $0x0  }
0x12: {  	s1 =	sld [smem:$0x3F92];
	s0 =	simm.s32 @p0 $0x1  }
0x13: {  	[smem:$0x3FAD] =	sst s0;
	s0 =	simm.s32 @!p1 $0x0  }
0x14: {  	s2 =	sld [smem:$0x3F91];
	s0 =	simm.s32 @p1 $0x1  }
0x15: {  	[smem:$0x3FAE] =	sst s0;
	s0 =	simm.s32 @!p2 $0x0  }
0x16: {  	s3 =	sld [smem:$0x3FDB];
	s0 =	simm.s32 @p2 $0x1  }
0x17: {  	s4 =	simm.s32 $0x1BF5;
	[smem:$0x3FB0] =	sst s0  }
0x18: {  	s0 =	sld [smem:$0x3F93];
	_ =	swait.ge [sflag:s4], $0x0  }
0x19: {  	s7 =	sld [smem:$0x3F94]  }
0x1a: {  	s8 =	sadd.s32 $0xFFFFE003, lr  }
0x1b: {  	s9 =	sadd.s32 $0xFFFFFEF7, lr;
	s5 =	simm.s32 $0xFFFFFFFF;
	p2 =	slt.u32 s8, $0xFFFFF086  }
0x1c: {  	p1 =	slt.u32 s9, $0xF7A;
	s5 =	simm.s32 @!p2 $0x0  }
0x1d: {  	s5 =	simm.s32 @p1 $0x1;
	p0 =	seq.s32 s7, s2  }
0x1e: {  	s7 =	smul.u32 @!p0 $0xF7A, s2;
	p2 =	seq.s32 @!p0 s5, $0x0  }
0x1f: {  	s9 =	smul.u32 $0xF7A, s1;
	s8 =	simm.s32 @!p0 $0x1BF5;
	p2 =	por !p2, p0  }
0x20: {  	[sflag:s8] =	ssyncset.s32 @!p0 $0xFFFFF086;
	s6 =	sadd.s32 @!p0 s3, s7;
	s7 =	simm.s32 @!p0 $0x108  }
0x21: {  	s3 =	sadd.s32 s3, s9;
	s6 =	sadd.s32 @!p0 $0x88, s6;
	s7 =	simm.s32 @p2 $0x1082  }
0x22: {  	[simem:s7], [sflag:s8] =	dma.local @!p0 [hbm:s6], $0xF7A  }
0x23: {  	s9 =	sor.u32 $0xD0000000, s2;
	s6 =	simm.s32 $0x108;
	_ =	swait.ge @!p0 [sflag:s8], $0x0  }
0x24: {  	s3 =	sadd.s32 $0x88, s3;
	s6 =	simm.s32 @!p1 $0x1082;
	[sflag:s4] =	ssyncset.s32 $0xFFFFF086  }
0x25: {  	[simem:s6], [sflag:s4] =	dma.local [hbm:s3], $0xF7A  }
0x26: {  	[smem:$0x3F94] =	sst s1;
	(tag) =	ssettag s2;
	_ =	strace s9  }
0x27: {  	s1 =	sld [smem:$0x3FA4]  }
0x28: {  	s2 =	sld [smem:$0x3FA5]  }
0x29: {  	s4 =	sld [smem:$0x3FA7]  }
0x2a: {  	p0 =	seq.s32 s5, $0x0;
	s5 =	sld [smem:$0x3FA8]  }
0x2b: {  	s6 =	sld [smem:$0x3FA9]  }
0x2c: {  	s7 =	sld [smem:$0x3FAA]  }
0x2d: {  	s3 =	simm.s32 $0x108;
	s8 =	sld [smem:$0x3FAB]  }
0x2e: {  	s3 =	simm.s32 @!p0 $0x1082;
	s9 =	sld [smem:$0x3FAC]  }
0x2f: {  	lr =	sadd.s32 s0, s3;
	s0 =	sld [smem:$0x3FA3]  }
0x30: {  	s3 =	sld [smem:$0x3FA6]  }
0x31: {  	[smem:$0x3FAF] =	sst s10  }
0x32: {  	s10 =	sld [smem:$0x3FAD];
	_ =	sdelay $0x3  }
0x33: {  	p0 =	seq.s32 s10, $0x1;
	s10 =	sld [smem:$0x3FAF];
	_ =	sdelay $0x3  }
0x34: {  	[smem:$0x3FAF] =	sst s10  }
0x35: {  	s10 =	sld [smem:$0x3FAE];
	_ =	sdelay $0x3  }
0x36: {  	p1 =	seq.s32 s10, $0x1;
	s10 =	sld [smem:$0x3FAF];
	_ =	sdelay $0x3  }
0x37: {  	[smem:$0x3FAF] =	sst s10  }
0x38: {  	s10 =	sld [smem:$0x3FB0]  }
0x39: {  	_ = 	snop;
	(pc) =	sbr.ind lr, $3  }
0x3a: {  	_ = 	snop  }
0x3b: {  	_ = 	snop  }
0x3c: {  	p2 =	seq.s32 s10, $0x1;
	s10 =	sld [smem:$0x3FAF]  }
0x3d: {  	_ =	shalt  }
0x3e: {  	_ =	shalt  }
0x3f: {  	_ =	shalt  }
0x40: {  	_ =	shalt  }
0x41: {  	_ =	shalt  }
0x42: {  	_ =	shalt  }
0x43: {  	_ =	shalt  }
0x44: {  	_ =	shalt  }
0x45: {  	_ =	shalt  }
0x46: {  	_ =	shalt  }
0x47: {  	_ =	shalt  }
0x48: {  	_ =	shalt  }
0x49: {  	_ =	shalt  }
0x4a: {  	_ =	shalt  }
0x4b: {  	_ =	shalt  }
0x4c: {  	_ =	shalt  }
0x4d: {  	_ =	shalt  }
0x4e: {  	_ =	shalt  }
0x4f: {  	_ =	shalt  }
0x50: {  	_ =	shalt  }
0x51: {  	_ =	shalt  }
0x52: {  	_ =	shalt  }
0x53: {  	_ =	shalt  }
0x54: {  	_ =	shalt  }
0x55: {  	_ =	shalt  }
0x56: {  	_ =	shalt  }
0x57: {  	_ =	shalt  }
0x58: {  	_ =	shalt  }
0x59: {  	_ =	shalt  }
0x5a: {  	_ =	shalt  }
0x5b: {  	_ =	shalt  }
0x5c: {  	_ =	shalt  }
0x5d: {  	_ =	shalt  }
0x5e: {  	_ =	shalt  }
0x5f: {  	_ =	shalt  }
0x60: {  	_ =	shalt  }
0x61: {  	_ =	shalt  }
0x62: {  	_ =	shalt  }
0x63: {  	_ =	shalt  }
0x64: {  	_ =	shalt  }
0x65: {  	_ =	shalt  }
0x66: {  	_ =	shalt  }
0x67: {  	_ =	shalt  }
0x68: {  	_ =	shalt  }
0x69: {  	_ =	shalt  }
0x6a: {  	_ =	shalt  }
0x6b: {  	_ =	shalt  }
0x6c: {  	_ =	shalt  }
0x6d: {  	_ =	shalt  }
0x6e: {  	_ =	shalt  }
0x6f: {  	_ =	shalt  }
0x70: {  	_ =	shalt  }
0x71: {  	_ =	shalt  }
0x72: {  	_ =	shalt  }
0x73: {  	_ =	shalt  }
0x74: {  	_ =	shalt  }
0x75: {  	_ =	shalt  }
0x76: {  	_ =	shalt  }
0x77: {  	_ =	shalt  }
0x78: {  	_ =	shalt  }
0x79: {  	_ =	shalt  }
0x7a: {  	_ =	shalt  }
0x7b: {  	_ =	shalt  }
0x7c: {  	_ =	shalt  }
0x7d: {  	_ =	shalt  }
0x7e: {  	_ =	shalt  }
0x7f: {  	_ =	shalt  }
0x80: {  	_ =	shalt  }
0x81: {  	_ =	shalt  }
0x82: {  	_ =	shalt  }
0x83: {  	_ =	shalt  }
0x84: {  	_ =	shalt  }
0x85: {  	_ =	shalt  }
0x86: {  	_ =	shalt  }
0x87: {  	_ =	shalt  }
.Lfunc_end0:
.L_simem_size_0:
called_computation_lowered:
.L_overlay_start_0:
0x88: {  	s2 =	sld [smem:$0x3FD9]  }
0x89: {  	s3 =	sld [smem:$0x3FFE];
	_ =	sdelay $0x1  }
0x8a: {  	s1 =	srdreg.scid  }
0x8b: {  	s0 =	sand.u32 $0x1, s1  }
0x8c: {  	s17 =	sshll.u32 s0, $0xA;
	s2 =	sadd.s32 s3, s2  }
0x8d: {  	s2 =	sadd.s32 s2, s17  }
0x8e: {  	[smem:$0x3FBB] =	sst s2  }
0x8f: {  	_ = 	snop  }
0x90: {  	s2 =	sld [smem:$0x3FD0];
	(tm) =	ssettm $0x1  }
0x91: {  	s18 =	sld [smem:$0x3FFB];
	_ =	sdelay $0x3  }
0x92: {  	_ =	strace s18  }
0x93: {  	s3 =	sld [smem:$0x3FFC];
	_ =	sdelay $0x3  }
0x94: {  	_ =	strace s3  }
0x95: {  	s3 =	sld [smem:$0x3FFD];
	_ =	sdelay $0x3  }
0x96: {  	_ =	strace s3  }
0x97: {  	_ =	strace $0x8FFFFFFF  }
0x98: {  	s19 =	sld [smem:$0x3FDB];
	_ =	sdelay $0x1  }
0x99: {  	s4 =	simm.s32 $_scs_section_size  }
0x9a: {  	s5 =	simm.s32 $_size__tile_overlayer_lowered;
	s6 =	simm.s32 $_tile_overlayer_lowered  }
0x9b: {  	s22 =	simm.s32 $0x1BFF;
	s21 =	sshll.u32 s6, $0x1;
	s3 =	sadd.s32 s4, s19  }
0x9c: {  	s7 =	simm.s32 $0x0;
	s20 =	sshll.u32 s5, $0x1;
	s5 =	sadd.s32 s21, s3  }
0x9d: {  	[timem:s7], [sflag:s22] =	dma.local [hbm:s5], s20  }
0x9e: {  	_ =	swait.ge [sflag:s22], s20  }
0x9f: {  	s4 =	ssub.s32 $0x0, s20;
	[sflag:s22] =	ssyncset.done $0x0  }
0xa0: {  	[sflag:s22] =	ssyncadd.s32 s4;
	_ =	sdelay $0x1  }
0xa1: {  	s23 =	simm.s32 $0x1B8B  }
0xa2: {  	_ =	swait.ge [sflag:s23], $0x1  }
0xa3: {  	[sflag:s23] =	ssyncset.done $0x0  }
0xa4: {  	s25 =	simm.s32 $0x1B8E;
	s24 =	sld [smem:$0x3FFE];
	[sflag:s23] =	ssyncadd.s32 $0xFFFFFFFF  }
0xa5: {  	s26 =	simm.s32 $execute0_lowered;
	[smem:$0x3FD2] =	sst s25  }
0xa6: {  	s5 =	sshll.u32 s26, $0x1;
	_ =	strace $0x80000046;
	[dreg:$0x1] =	wrdreg $0xFFFFFFFF  }
0xa7: {  	s28 =	simm.s32 $_size_execute0_lowered;
	s3 =	sadd.s32 s3, s5;
	[dreg:$0x0] =	wrdreg $0x0  }
0xa8: {  	s5 =	sshll.u32 s28, $0x1;
	[dreg:$0x2] =	wrdreg s3  }
0xa9: {  	[dreg:$0x3] =	wrdreg s5  }
0xaa: {  	[dreg:$0x4] =	wrdreg $0xC0  }
0xab: {  	_ =	task [dreg:s7], $0x5FFFF  }
0xac: {  	[dreg:$0x1] =	wrdreg $0xFFFFFFFF  }
0xad: {  	[dreg:$0x0] =	wrdreg $0x60  }
0xae: {  	[dreg:$0x2] =	wrdreg s2  }
0xaf: {  	[dreg:$0x3] =	wrdreg s24  }
0xb0: {  	[dreg:$0x4] =	wrdreg $0xAA000  }
0xb1: {  	[dreg:$0x5] =	wrdreg $0x9  }
0xb2: {  	_ =	task.clear_ibuf [dreg:s7], $0x6FFFF;
	_ =	strace $0x90000046  }
0xb3: {  	s29 =	simm.s32 $0x9;
	_ =	strace $0x80000048  }
0xb4: {  	_ =	swait.ge [sflag:s29], $0x1  }
0xb5: {  	[sflag:s29] =	ssyncadd.s32 $0xFFFFFFFF  }
0xb6: {  	_ =	strace $0x90000048  }
0xb7: {  	_ =	sfence  }
0xb8: {  	s30 =	sld [smem:$0x0];
	_ =	sdelay $0x2  }
0xb9: {  	s31 =	sshll.u32 s1, $0xD;
	s1 =	sshrl.u32 s1, $0x2  }
0xba: {  	s3 =	sand.u32 $0x4000, s31;
	s1 =	sadd.s32 s1, s30  }
0xbb: {  	s0 =	sor.u32 s3, s0;
	s1 =	sshll.u32 s1, $0x11  }
0xbc: {  	s0 =	sor.u32 s1, s0  }
0xbd: {  	s0 =	sadd.s32 $0x8F2B, s0  }
0xbe: {  	[sflag:s0] =	ssyncadd.remote.s32 $0x1  }
0xbf: {  	_ =	sfence.sel $0xFFFF  }
0xc0: {  	[dreg:$0x0] =	wrdreg $0xFFFFFFFF;
	(pc) =	sbr.abs _section_cstart, $3  }
0xc1: {  	[dreg:$0x1] =	wrdreg $0xFFFFFFFF  }
0xc2: {  	_ =	task.clear_ibuf [dreg:s7], $0x2FFFF;
	_ =	strace $0x9FFFFFFF  }
0xc3: {  	(tm) =	ssettm $0x7FFFFFFF  }
tec
execute0_lowered:
.L_overlay_start_1:
0x0: {  	(tag) =	ssettag $0x1  }
0x1: {  	s1 =	rddreg [dreg:$0x0]  }
0x2: {  	s0 =	rddreg [dreg:$0x1]  }
0x3: {  	s2 =	rddreg [dreg:$0x2];
	s3 =	srdreg.scid  }
0x4: {  	s5 =	simm.s32 $0x0;
	s4 =	stileid.u32;
	s16 =	simm.s32 $0x5  }
0x5: {  	s17 =	simm.s32 $0x40;
	s19 =	simm.s32 $0x2A00;
	s21 =	simm.s32 $0x2880  }
0x6: {  	s22 =	simm.s32 $0x4A00;
	s23 =	simm.s32 $0x8A00;
	s28 =	simm.s32 $0x2  }
0x7: {  	s29 =	simm.s32 $0x4;
	s30 =	simm.s32 $0x2980;
	s31 =	simm.s32 $0x0  }
0x8: {  	s3 =	sand.u32 $0x1, s3;
	[smem:$0x7FF] =	sst s5;
	s8 =	smul.u32 $0x13C00, s4  }
0x9: {  	s5 =	sadd.s32 $0x16800, s0;
	s10 =	sadd.s32 $0x2800, s0;
	s9 =	smul.u32 $0x4F000, s4  }
0xa: {  	s6 =	sadd.s32 $0x516800, s0;
	s26 =	sshll.u32 s4, $0x6;
	s7 =	smul.u32 $0x13C000, s3  }
0xb: {  	_ =	strace $0x80000047;
	[dreg:$0x4] =	wrdreg s6;
	s24 =	sshll.u32 s3, $0x4  }
0xc: {  	s3 =	ssub.s32 $0x2, s3;
	s7 =	sadd.s32 s8, s7;
	s8 =	sor.u32 s4, s24  }
0xd: {  	s25 =	sshrl.u32 s3, $0x1;
	s9 =	sshrl.u32 s9, $0x2;
	s11 =	smul.u32 $0xA00, s8  }
0xe: {  	s3 =	ssub.s32 s3, s25;
	s15 =	sadd.s32 s9, s2;
	s12 =	smul.u32 $0x5000, s8  }
0xf: {  	s24 =	simm.s32 $0x1;
	s25 =	simm.s32 $0x3;
	s13 =	smul.u32 $0x28000, s8  }
.Ltmp0:
0x10: {  	s7 =	sshrl.u32 s7, $0x3;
	s14 =	smax.u32 s3, $0x1;
	(pc) =	sbr.rel .LBB2_1-.Ltmp0, $4  }
0x11: {  	s15 =	sshrl.u32 s15, $0x3;
	s0 =	sadd.s32 s7, s0;
	s7 =	smul.u32 $0x140000, s8  }
0x12: {  	s8 =	sor.u32 $0x1C05, s26;
	s26 =	simm.s32 $0x2900;
	s12 =	sshrl.u32 s12, $0x3  }
0x13: {  	s9 =	sadd.s32 s10, s11;
	s12 =	sadd.s32 s10, s12;
	s10 =	sadd.s32 s5, s13  }
0x14: {  	s11 =	sor.u32 $0x2000, s7;
	s13 =	sadd.s32 $0x519000, s0;
	s12 =	sadd.s32 $0x500, s12  }
.LBB2_8:
0x15: {  	s31 =	sadd.s32 $0x1, s31  }
0x16: {  	p0 =	sne.s32 s31, s14  }
.Ltmp1:
0x17: {  	[bflag:$0x0] =	sbarrier.arrive $0xFFFF;
	(pc) =	sbr.rel @!p0 .LBB2_9-.Ltmp1, $4  }
0x18: {  	[hbm:s13], [sflag:s8] =	dma.local [spmem:s15], $0x2780  }
0x19: {  	_ =	swait.ge [sflag:s16], $0x2780  }
0x1a: {  	[sflag:s16] =	ssyncset.done $0x0  }
0x1b: {  	[sflag:s16] =	ssyncadd.s32 $0xFFFFD880  }
.LBB2_1:
0x1c: {  	s0 =	rddreg [dreg:$0x4]  }
0x1d: {  	[spmem:s15], [sflag:s8] =	dma.local [hbm:s0], $0x2780  }
0x1e: {  	_ =	swait.ge [sflag:s16], $0x2780  }
0x1f: {  	[sflag:s16] =	ssyncset.done $0x0  }
0x20: {  	s18 =	simm.s32 $0x0;
	[sflag:s16] =	ssyncadd.s32 $0xFFFFD880  }
0x21: {  	[tilespmem:s18], [sflag:$0x5] =	stream.linear.gather [hbm4b:s9+s18], $0x2800, $0x38;
	[tilespmem:$0x1E600] =	vst v63  }
0x22: {  	_ =	swait.ge [sflag:s16], $0x2800  }
0x23: {  	[sflag:s16] =	ssyncset.done $0x0  }
0x24: {  	[sflag:s16] =	ssyncadd.s32 $0xFFFFD800  }
0x25: {  	[bflag:$0x0] =	sbarrier.arrive $0xFFFF  }
0x26: {  	v0 =	vld [tilespmem:$0x0];
	_ =	sdelay $0x1  }
0x27: {  	v1 =	vld [tilespmem:$0x10];
	_ =	sdelay $0x1  }
0x28: {  	v2 =	vld [tilespmem:$0x20]  }
0x29: {  	v3 =	vand.u32 $0x3FFF, v0  }
0x2a: {  	v45 =	vld [tilespmem:$0x30];
	v0 =	vshrl.u32 v0, $0xE;
	[tilespmem:$0x2800] =	vst v3  }
0x2b: {  	v46 =	vand.u32 $0x3FFF, v1;
	[tilespmem:$0x2900] =	vst v0  }
0x2c: {  	v48 =	vld [tilespmem:$0x80];
	v47 =	vshrl.u32 v1, $0xE;
	[tilespmem:$0x2810] =	vst v46  }
0x2d: {  	v49 =	vand.u32 $0x3FFF, v2;
	[tilespmem:$0x2910] =	vst v47  }
0x2e: {  	v51 =	vld [tilespmem:$0x90];
	v50 =	vshrl.u32 v2, $0xE;
	[tilespmem:$0x2820] =	vst v49  }
0x2f: {  	v52 =	vand.u32 $0x3FFF, v45;
	[tilespmem:$0x2920] =	vst v50  }
0x30: {  	v54 =	vld [tilespmem:$0xA0];
	v53 =	vshrl.u32 v45, $0xE;
	[tilespmem:$0x2830] =	vst v52  }
0x31: {  	v55 =	vand.u32 $0x3FFF, v48;
	[tilespmem:$0x2930] =	vst v53  }
0x32: {  	v57 =	vld [tilespmem:$0xB0];
	v56 =	vshrl.u32 v48, $0xE;
	[tilespmem:$0x2880] =	vst v55  }
0x33: {  	v58 =	vand.u32 $0x3FFF, v51;
	[tilespmem:$0x2980] =	vst v56  }
0x34: {  	v59 =	vshrl.u32 v51, $0xE;
	[tilespmem:$0x2890] =	vst v58  }
0x35: {  	v60 =	vand.u32 $0x3FFF, v54;
	[tilespmem:$0x2990] =	vst v59  }
0x36: {  	v61 =	vshrl.u32 v54, $0xE;
	[tilespmem:$0x28A0] =	vst v60  }
0x37: {  	v62 =	vand.u32 $0x3FFF, v57;
	[tilespmem:$0x29A0] =	vst v61  }
0x38: {  	v63 =	vshrl.u32 v57, $0xE;
	[tilespmem:$0x28B0] =	vst v62  }
0x39: {  	[tilespmem:$0x29B0] =	vst v63  }
0x3a: {  	s3 =	simm.s32 $0x2800;
	[bflag:$0x0] =	sbarrier.arrive $0xFFFF  }
0x3b: {  	[tilespmem:s19], [sflag:$0x1] =	stream.indirect.gather [hbm4b:s1+s17], $0x80, s3, s17, $0xb8;
	[tilespmem:$0x1E600] =	vst v63  }
0x3c: {  	s20 =	simm.s32 $0x6A00;
	s0 =	simm.s32 $0x0  }
0x3d: {  	[tilespmem:s20], [sflag:$0x3] =	stream.linear.gather [hbm4b:s10+s18], $0x2000, $0x38;
	[tilespmem:$0x1E600] =	vst v63  }
.LBB2_2:
0x3e: {  	[tilespmem:s22], [sflag:$0x2] =	stream.indirect.gather [hbm4b:s1+s17], $0x80, s21, s17, $0xb8;
	[tilespmem:$0x1E600] =	vst v63  }
0x3f: {  	s3 =	sshll.u32 s0, $0xE  }
0x40: {  	s3 =	sadd.s32 s3, s11  }
0x41: {  	s3 =	sshrl.u32 s3, $0x3  }
0x42: {  	s18 =	simm.s32 $0x0;
	s3 =	sadd.s32 s5, s3  }
0x43: {  	[tilespmem:s23], [sflag:$0x4] =	stream.linear.gather [hbm4b:s3+s18], $0x2000, $0x38;
	[tilespmem:$0x1E600] =	vst v63  }
0x44: {  	_ =	swait.ge [sflag:s24], $0x2000  }
0x45: {  	[sflag:s24] =	ssyncset.done $0x0  }
0x46: {  	[sflag:s24] =	ssyncadd.s32 $0xFFFFE000  }
0x47: {  	_ =	swait.ge [sflag:s25], $0x2000  }
0x48: {  	[sflag:s25] =	ssyncset.done $0x0  }
0x49: {  	s3 =	simm.s32 $0x0;
	[sflag:s25] =	ssyncadd.s32 $0xFFFFE000  }
0x4a: {  	v7 =	vld [tilespmem:s3+$0x6A00]  }
0x4b: {  	v11 =	vld [tilespmem:s3+$0x6A10]  }
0x4c: {  	v5 =	vld [tilespmem:s3+$0x6A20]  }
0x4d: {  	v4 =	vld [tilespmem:s3+$0x6A30]  }
0x4e: {  	v3 =	vld [tilespmem:s3+$0x6A40]  }
0x4f: {  	v2 =	vld [tilespmem:s3+$0x6A50]  }
0x50: {  	v1 =	vld [tilespmem:s3+$0x6A60]  }
0x51: {  	v0 =	vld [tilespmem:s3+$0x6A70]  }
0x52: {  	v12 =	vld [tilespmem:s3+$0x2A00]  }
0x53: {  	v13 =	vld [tilespmem:s3+$0x2A10]  }
0x54: {  	v10 =	vld [tilespmem:s3+$0x2A20]  }
0x55: {  	v9 =	vld [tilespmem:s3+$0x2A30]  }
0x56: {  	v8 =	vld [tilespmem:s3+$0x2A40]  }
0x57: {  	v6 =	vld [tilespmem:s3+$0x2A50];
	v12 =	vmul.f32 v7, v12  }
0x58: {  	s18 =	simm.s32 $0x200;
	v11 =	vmul.f32 v11, v13;
	v7 =	vld [tilespmem:s3+$0x2A60]  }
.LBB2_3:
0x59: {  	s20 =	sshra.s32 s18, $0x2;
	p0 =	sne.s32 s18, $0x7E00;
	[tilespmem:s3+$0x2A00] =	vst v12;
	v5 =	vmul.f32 v5, v10;
	v10 =	vld [tilespmem:s3+$0x2A70]  }
0x5a: {  	v12 =	vld [tilespmem:s20+$0x6A00];
	[tilespmem:s3+$0x2A10] =	vst v11;
	v4 =	vmul.f32 v4, v9  }
0x5b: {  	v11 =	vld [tilespmem:s20+$0x6A10];
	[tilespmem:s3+$0x2A20] =	vst v5;
	v3 =	vmul.f32 v3, v8  }
0x5c: {  	v5 =	vld [tilespmem:s20+$0x6A20];
	[tilespmem:s3+$0x2A30] =	vst v4;
	v2 =	vmul.f32 v2, v6  }
0x5d: {  	v4 =	vld [tilespmem:s20+$0x6A30];
	[tilespmem:s3+$0x2A40] =	vst v3;
	v1 =	vmul.f32 v1, v7  }
0x5e: {  	v3 =	vld [tilespmem:s20+$0x6A40];
	[tilespmem:s3+$0x2A50] =	vst v2;
	v0 =	vmul.f32 v0, v10  }
0x5f: {  	v2 =	vld [tilespmem:s20+$0x6A50];
	[tilespmem:s3+$0x2A60] =	vst v1  }
0x60: {  	v1 =	vld [tilespmem:s20+$0x6A60];
	[tilespmem:s3+$0x2A70] =	vst v0;
	s3 =	smov.u32 s20  }
0x61: {  	v0 =	vld [tilespmem:s3+$0x6A70]  }
0x62: {  	v6 =	vld [tilespmem:s3+$0x2A00]  }
0x63: {  	v7 =	vld [tilespmem:s3+$0x2A10]  }
.Ltmp2:
0x64: {  	v10 =	vld [tilespmem:s3+$0x2A20];
	(pc) =	sbr.rel @p0 .LBB2_3-.Ltmp2, $4  }
0x65: {  	v9 =	vld [tilespmem:s3+$0x2A30]  }
0x66: {  	v8 =	vld [tilespmem:s3+$0x2A40]  }
0x67: {  	v12 =	vmul.f32 v12, v6;
	v6 =	vld [tilespmem:s3+$0x2A50]  }
0x68: {  	s18 =	sadd.s32 $0x200, s18;
	v11 =	vmul.f32 v11, v7;
	v7 =	vld [tilespmem:s3+$0x2A60]  }
0x69: {  	[tilespmem:s3+$0x2A00] =	vst v12;
	v5 =	vmul.f32 v5, v10;
	v10 =	vld [tilespmem:s3+$0x2A70]  }
0x6a: {  	[tilespmem:s3+$0x2A10] =	vst v11;
	v4 =	vmul.f32 v4, v9  }
0x6b: {  	[tilespmem:s3+$0x2A20] =	vst v5;
	v3 =	vmul.f32 v3, v8  }
0x6c: {  	[tilespmem:s3+$0x2A30] =	vst v4;
	v2 =	vmul.f32 v2, v6  }
0x6d: {  	[tilespmem:s3+$0x2A40] =	vst v3;
	v1 =	vmul.f32 v1, v7  }
0x6e: {  	[tilespmem:s3+$0x2A50] =	vst v2;
	v0 =	vmul.f32 v0, v10  }
0x6f: {  	[tilespmem:s3+$0x2A60] =	vst v1  }
0x70: {  	[tilespmem:s3+$0x2A70] =	vst v0;
	s3 =	sshll.u32 s0, $0x1  }
0x71: {  	[spmem:s2] =	stream.indirect.scatter.add.f32 [tilespmem:s19], [sflag:$0x5], $0x80, s26, s17, $0xb8;
	[tilespmem:$0x1E600] =	vst v63  }
0x72: {  	p0 =	seq.s32 s0, $0x4F;
	s18 =	sadd.s32 $0x2, s3  }
0x73: {  	_ =	swait.ge [sflag:s16], $0x2000;
	p1 =	sne.s32 @!p0 s18, $0x50  }
0x74: {  	[sflag:s16] =	ssyncset.done $0x0;
	p1 =	por p1, p0  }
0x75: {  	p2 =	sgt.u32 @!p0 s0, $0x26;
	[sflag:s16] =	ssyncadd.s32 $0xFFFFE000;
	s20 =	simm.s32 @!p1 $0x0  }
0x76: {  	[tilespmem:s20], [sflag:$0x5] =	stream.linear.gather @!p1 [hbm4b:s12+s20], $0x2800, $0x38;
	[tilespmem:$0x1E600] =	vst v63  }
0x77: {  	p2 =	por !p2, p0;
	s4 =	sadd.s32 @!p0 $0x7FFFB2, s3;
	s20 =	simm.s32 @!p1 $0x5  }
0x78: {  	s4 =	smov.u32 @p2 s18;
	_ =	swait.ge @!p1 [sflag:s20], $0x2800  }
0x79: {  	s4 =	sshll.u32 @!p0 s4, $0x9;
	[sflag:s20] =	ssyncset.done @!p1 $0x0  }
0x7a: {  	s4 =	sshra.s32 @!p0 s4, $0x2;
	[sflag:s20] =	ssyncadd.s32 @!p1 $0xFFFFD800  }
0x7b: {  	v0 =	vld @!p0 [tilespmem:s4+$0x0];
	_ =	sdelay $0x4  }
0x7c: {  	v1 =	vand.u32 @!p0 $0x3FFF, v0  }
0x7d: {  	v0 =	vshrl.u32 @!p0 v0, $0xE;
	[tilespmem:$0x2800] =	vst @!p0 v1  }
0x7e: {  	[tilespmem:$0x2900] =	vst @!p0 v0  }
0x7f: {  	v0 =	vld @!p0 [tilespmem:s4+$0x10];
	_ =	sdelay $0x4  }
0x80: {  	v1 =	vand.u32 @!p0 $0x3FFF, v0  }
0x81: {  	v0 =	vshrl.u32 @!p0 v0, $0xE;
	[tilespmem:$0x2810] =	vst @!p0 v1  }
0x82: {  	[tilespmem:$0x2910] =	vst @!p0 v0  }
0x83: {  	v0 =	vld @!p0 [tilespmem:s4+$0x20];
	_ =	sdelay $0x4  }
0x84: {  	v1 =	vand.u32 @!p0 $0x3FFF, v0  }
0x85: {  	v0 =	vshrl.u32 @!p0 v0, $0xE;
	[tilespmem:$0x2820] =	vst @!p0 v1  }
0x86: {  	[tilespmem:$0x2920] =	vst @!p0 v0  }
0x87: {  	v0 =	vld @!p0 [tilespmem:s4+$0x30];
	_ =	sdelay $0x4  }
0x88: {  	v1 =	vand.u32 @!p0 $0x3FFF, v0  }
0x89: {  	v0 =	vshrl.u32 @!p0 v0, $0xE;
	[tilespmem:$0x2830] =	vst @!p0 v1  }
0x8a: {  	s6 =	simm.s32 @!p0 $0x2A00;
	s20 =	simm.s32 @!p0 $0x2800;
	s4 =	simm.s32 @!p0 $0x40;
	[tilespmem:$0x2930] =	vst @!p0 v0  }
0x8b: {  	[tilespmem:s6], [sflag:$0x1] =	stream.indirect.gather @!p0 [hbm4b:s1+s4], $0x80, s20, s4, $0xb8;
	[tilespmem:$0x1E600] =	vst v63  }
0x8c: {  	s4 =	sshll.u32 @!p0 s18, $0xD  }
0x8d: {  	s4 =	sadd.s32 @!p0 s7, s4  }
0x8e: {  	s4 =	sshrl.u32 @!p0 s4, $0x3  }
0x8f: {  	s6 =	simm.s32 @!p0 $0x0;
	s18 =	simm.s32 @!p0 $0x6A00;
	s4 =	sadd.s32 @!p0 s5, s4  }
0x90: {  	[tilespmem:s18], [sflag:$0x3] =	stream.linear.gather @!p0 [hbm4b:s4+s6], $0x2000, $0x38;
	[tilespmem:$0x1E600] =	vst v63  }
0x91: {  	_ =	swait.ge [sflag:s28], $0x2000  }
0x92: {  	[sflag:s28] =	ssyncset.done $0x0  }
0x93: {  	[sflag:s28] =	ssyncadd.s32 $0xFFFFE000  }
0x94: {  	_ =	swait.ge [sflag:s29], $0x2000  }
0x95: {  	[sflag:s29] =	ssyncset.done $0x0  }
0x96: {  	s18 =	simm.s32 $0x0;
	[sflag:s29] =	ssyncadd.s32 $0xFFFFE000  }
0x97: {  	v7 =	vld [tilespmem:s18+$0x8A00]  }
0x98: {  	v11 =	vld [tilespmem:s18+$0x8A10]  }
0x99: {  	v5 =	vld [tilespmem:s18+$0x8A20]  }
0x9a: {  	v4 =	vld [tilespmem:s18+$0x8A30]  }
0x9b: {  	v3 =	vld [tilespmem:s18+$0x8A40]  }
0x9c: {  	v2 =	vld [tilespmem:s18+$0x8A50]  }
0x9d: {  	v1 =	vld [tilespmem:s18+$0x8A60]  }
0x9e: {  	v0 =	vld [tilespmem:s18+$0x8A70]  }
0x9f: {  	v12 =	vld [tilespmem:s18+$0x4A00]  }
0xa0: {  	v13 =	vld [tilespmem:s18+$0x4A10]  }
0xa1: {  	v10 =	vld [tilespmem:s18+$0x4A20]  }
0xa2: {  	v9 =	vld [tilespmem:s18+$0x4A30]  }
0xa3: {  	v8 =	vld [tilespmem:s18+$0x4A40]  }
0xa4: {  	v6 =	vld [tilespmem:s18+$0x4A50];
	v12 =	vmul.f32 v7, v12  }
0xa5: {  	s20 =	simm.s32 $0x200;
	v11 =	vmul.f32 v11, v13;
	v7 =	vld [tilespmem:s18+$0x4A60]  }
.LBB2_5:
0xa6: {  	s4 =	sshra.s32 s20, $0x2;
	p1 =	sne.s32 s20, $0x7E00;
	[tilespmem:s18+$0x4A00] =	vst v12;
	v5 =	vmul.f32 v5, v10;
	v10 =	vld [tilespmem:s18+$0x4A70]  }
0xa7: {  	v12 =	vld [tilespmem:s4+$0x8A00];
	[tilespmem:s18+$0x4A10] =	vst v11;
	v4 =	vmul.f32 v4, v9  }
0xa8: {  	v11 =	vld [tilespmem:s4+$0x8A10];
	[tilespmem:s18+$0x4A20] =	vst v5;
	v3 =	vmul.f32 v3, v8  }
0xa9: {  	v5 =	vld [tilespmem:s4+$0x8A20];
	[tilespmem:s18+$0x4A30] =	vst v4;
	v2 =	vmul.f32 v2, v6  }
0xaa: {  	v4 =	vld [tilespmem:s4+$0x8A30];
	[tilespmem:s18+$0x4A40] =	vst v3;
	v1 =	vmul.f32 v1, v7  }
0xab: {  	v3 =	vld [tilespmem:s4+$0x8A40];
	[tilespmem:s18+$0x4A50] =	vst v2;
	v0 =	vmul.f32 v0, v10  }
0xac: {  	v2 =	vld [tilespmem:s4+$0x8A50];
	[tilespmem:s18+$0x4A60] =	vst v1  }
0xad: {  	v1 =	vld [tilespmem:s4+$0x8A60];
	[tilespmem:s18+$0x4A70] =	vst v0;
	s18 =	smov.u32 s4  }
0xae: {  	v0 =	vld [tilespmem:s18+$0x8A70]  }
0xaf: {  	v6 =	vld [tilespmem:s18+$0x4A00]  }
0xb0: {  	v7 =	vld [tilespmem:s18+$0x4A10]  }
.Ltmp3:
0xb1: {  	v10 =	vld [tilespmem:s18+$0x4A20];
	(pc) =	sbr.rel @p1 .LBB2_5-.Ltmp3, $4  }
0xb2: {  	v9 =	vld [tilespmem:s18+$0x4A30]  }
0xb3: {  	v8 =	vld [tilespmem:s18+$0x4A40]  }
0xb4: {  	v12 =	vmul.f32 v12, v6;
	v6 =	vld [tilespmem:s18+$0x4A50]  }
0xb5: {  	s20 =	sadd.s32 $0x200, s20;
	v11 =	vmul.f32 v11, v7;
	v7 =	vld [tilespmem:s18+$0x4A60]  }
0xb6: {  	[tilespmem:s18+$0x4A00] =	vst v12;
	v5 =	vmul.f32 v5, v10;
	v63 =	vld [tilespmem:s18+$0x4A70]  }
0xb7: {  	[tilespmem:s18+$0x4A10] =	vst v11;
	v4 =	vmul.f32 v4, v9  }
0xb8: {  	[tilespmem:s18+$0x4A20] =	vst v5;
	v3 =	vmul.f32 v3, v8  }
0xb9: {  	[tilespmem:s18+$0x4A30] =	vst v4;
	v2 =	vmul.f32 v2, v6  }
0xba: {  	[tilespmem:s18+$0x4A40] =	vst v3;
	v1 =	vmul.f32 v1, v7  }
0xbb: {  	[tilespmem:s18+$0x4A50] =	vst v2;
	v0 =	vmul.f32 v0, v63  }
0xbc: {  	[tilespmem:s18+$0x4A60] =	vst v1  }
.Ltmp4:
0xbd: {  	[tilespmem:s18+$0x4A70] =	vst v0;
	(pc) =	sbr.rel @p0 .LBB2_8-.Ltmp4, $4  }
0xbe: {  	[spmem:s2] =	stream.indirect.scatter.add.f32 [tilespmem:s22], [sflag:$0x5], $0x80, s30, s17, $0xb8;
	[tilespmem:$0x1E600] =	vst v63  }
0xbf: {  	_ =	swait.ge [sflag:s16], $0x2000  }
0xc0: {  	[sflag:s16] =	ssyncset.done $0x0  }
0xc1: {  	[sflag:s16] =	ssyncadd.s32 $0xFFFFE000  }
0xc2: {  	p0 =	sgt.u32 s0, $0x26;
	s4 =	simm.s32 $0x7FFFB3  }
0xc3: {  	s4 =	simm.s32 @!p0 $0x3  }
0xc4: {  	s3 =	sadd.s32 s3, s4  }
0xc5: {  	s3 =	sshll.u32 s3, $0x9  }
0xc6: {  	s3 =	sshra.s32 s3, $0x2  }
0xc7: {  	v0 =	vld [tilespmem:s3+$0x0];
	_ =	sdelay $0x4  }
0xc8: {  	v1 =	vand.u32 $0x3FFF, v0  }
0xc9: {  	v0 =	vshrl.u32 v0, $0xE;
	[tilespmem:$0x2880] =	vst v1  }
0xca: {  	[tilespmem:$0x2980] =	vst v0  }
0xcb: {  	v0 =	vld [tilespmem:s3+$0x10];
	_ =	sdelay $0x4  }
0xcc: {  	v61 =	vand.u32 $0x3FFF, v0  }
0xcd: {  	v0 =	vshrl.u32 v0, $0xE;
	[tilespmem:$0x2890] =	vst v61  }
0xce: {  	[tilespmem:$0x2990] =	vst v0  }
0xcf: {  	v0 =	vld [tilespmem:s3+$0x20];
	_ =	sdelay $0x4  }
0xd0: {  	v62 =	vand.u32 $0x3FFF, v0  }
0xd1: {  	v0 =	vshrl.u32 v0, $0xE;
	[tilespmem:$0x28A0] =	vst v62  }
0xd2: {  	[tilespmem:$0x29A0] =	vst v0  }
0xd3: {  	v0 =	vld [tilespmem:s3+$0x30];
	_ =	sdelay $0x2  }
.Ltmp5:
0xd4: {  	_ = 	snop;
	(pc) =	sbr.rel .LBB2_2-.Ltmp5, $4  }
0xd5: {  	_ = 	snop  }
0xd6: {  	v63 =	vand.u32 $0x3FFF, v0  }
0xd7: {  	v0 =	vshrl.u32 v0, $0xE;
	[tilespmem:$0x28B0] =	vst v63  }
0xd8: {  	s0 =	sadd.s32 $0x1, s0;
	[tilespmem:$0x29B0] =	vst v0  }
.LBB2_9:
0xd9: {  	_ =	sfence.sel $0x180000  }
0xda: {  	[bflag:$0x0] =	sbarrier.arrive $0xFFFF  }
0xdb: {  	_ =	strace $0x90000047  }
0xdc: {  	s0 =	stileid.u32;
	[bflag:$0x2] =	sbarrier.arrive $0xFFFF  }
0xdd: {  	p0 =	sne.s32 s0, $0x0;
	s0 =	rddreg [dreg:$0x3]  }
0xde: {  	s0 =	sadd.s32 @!p0 $0x100000, s0  }
0xdf: {  	[sflag:s0] =	ssyncadd.tile.s32 @!p0 $0x1;
	_ =	shalt  }
.Lfunc_end2:
_tile_overlayer_lowered:
.L_overlay_start_2:
0xe0: {  	(tag) =	ssettag $0x2  }
0xe1: {  	s0 =	rddreg [dreg:$0x0];
	s2 =	stileid.u32  }
0xe2: {  	s1 =	rddreg [dreg:$0x1];
	p0 =	sne.s32 s2, $0x0  }
0xe3: {  	s3 =	rddreg [dreg:$0x2];
	[bflag:$0x3] =	sbarrier.arrive $0xFFFF;
	s2 =	simm.s32 @!p0 $0x1C05  }
0xe4: {  	[timem:s3], [sflag:s2] =	dma.local @!p0 [hbm:s0], s1  }
0xe5: {  	s0 =	simm.s32 @!p0 $0x5  }
0xe6: {  	_ =	swait.ge @!p0 [sflag:s0], s1  }
0xe7: {  	s1 =	ssub.s32 @!p0 $0x0, s1;
	[sflag:s0] =	ssyncset.done @!p0 $0x0  }
0xe8: {  	[sflag:s0] =	ssyncadd.s32 @!p0 s1  }
0xe9: {  	[bflag:$0x3] =	sbarrier.arrive $0xFFFF  }
0xea: {  	_ =	shalt  }

</sc_bundles>
